<compile_context>
chip_gen: v7x
topology: tpu7x:2x2x1
jax: 0.10.2.dev20260603
libtpu: 0.0.44.dev20260713+nightly
codegen_flags: <defaults>
</compile_context>

<pallas_src>
import functools

import jax
import jax.numpy as jnp
from jax import lax
from jax.experimental import pallas as pl
from jax.experimental.pallas import tpu as pltpu
from jax.experimental.pallas import tpu_sc as plsc

_INFO = plsc.get_sparse_core_info()
_NC = _INFO.num_cores
_NS = _INFO.num_subcores
_NW = _NC * _NS


@functools.partial(jax.jit, static_argnames=("b", "s", "dim"))
def _sc_gather(idx2, weight, b, s, dim):
    chunk = 2 * s
    n_chunks = b // (2 * _NW)
    mesh = plsc.VectorSubcoreMesh(core_axis_name="c", subcore_axis_name="s")

    nbuf = 8
    pref = 3
    assert n_chunks % nbuf == 0 and n_chunks >= nbuf

    @functools.partial(
        pl.kernel,
        out_type=jax.ShapeDtypeStruct((b, s, dim), jnp.float32),
        mesh=mesh,
        scratch_types=[
            pltpu.VMEM((n_chunks, chunk), jnp.int32),
            pltpu.VMEM((nbuf, chunk, dim), jnp.float32),
            pltpu.SemaphoreType.DMA,
            pltpu.SemaphoreType.DMA,
        ],
        compiler_params=pltpu.CompilerParams(use_tc_tiling_on_sc=False),
    )
    def k(idx_hbm, table_hbm, out_hbm, idx_v, rows_v, gsem, ssem):
        wid = lax.axis_index("s") * _NC + lax.axis_index("c")
        batch0 = wid * (2 * n_chunks)
        pltpu.sync_copy(idx_hbm.at[pl.ds(wid * n_chunks, n_chunks)], idx_v)

        def gather(j, buf):
            pltpu.async_copy(table_hbm.at[idx_v.at[j]], rows_v.at[buf], gsem)

        def store_desc(j, buf, half):
            return pltpu.make_async_copy(
                rows_v.at[buf, pl.ds(half * s, s)],
                out_hbm.at[batch0 + 2 * j + half],
                ssem,
            )

        for m in range(pref):
            gather(m, m)

        def outer(g, carry):
            for i in range(nbuf):
                j = nbuf * g + i

                @pl.when(j - (nbuf - pref) >= 0)
                def _(i=i, j=j):
                    store_desc(j - (nbuf - pref), (i + pref) % nbuf, 0).wait()
                    store_desc(j - (nbuf - pref), (i + pref) % nbuf, 1).wait()

                @pl.when(j + pref < n_chunks)
                def _(i=i, j=j):
                    gather(j + pref, (i + pref) % nbuf)

                pltpu.make_async_copy(
                    table_hbm.at[idx_v.at[j]], rows_v.at[i], gsem
                ).wait()
                store_desc(j, i, 0).start()
                store_desc(j, i, 1).start()
            return carry

        lax.fori_loop(0, n_chunks // nbuf, outer, 0)
        for j in range(n_chunks - (nbuf - pref), n_chunks):
            store_desc(j, j % nbuf, 0).wait()
            store_desc(j, j % nbuf, 1).wait()

    return k(idx2, weight)


def kernel(input_ids, weight):
    b, s = input_ids.shape
    dim = weight.shape[1]
    assert b % (2 * _NW) == 0
    idx2 = input_ids.reshape(b // 2, 2 * s).astype(jnp.int32)
    return _sc_gather(idx2, weight, b, s, dim)

# --- scband reference (transcript-rebuilt; emitter-appended) ---
"""Pipeline reference for scband-deep-embedding-8486855377239 (READ-ONLY COPY).

The authoritative reference and input builder live on the scoring server;
editing this copy changes nothing except your own understanding.
"""

import jax, jax.numpy as jnp
import numpy as np

NUM_EMBEDDINGS = 100000
EMBEDDING_DIM = 64
PADDING_IDX = 0


def setup_inputs(seed: int = 0) -> dict:
    key = jax.random.key(seed)
    k_idx, k_w = jax.random.split(key)
    input_ids = jax.random.randint(k_idx, (4096, 50), 0, NUM_EMBEDDINGS, dtype=jnp.int64 if jax.config.jax_enable_x64 else jnp.int32)
    weight = jax.random.normal(k_w, (NUM_EMBEDDINGS, EMBEDDING_DIM), dtype=jnp.float32)
    # torch.nn.Embedding zeroes the padding_idx row at init
    weight = weight.at[PADDING_IDX].set(0.0)
    return {"input_ids": input_ids, "weight": weight}


def reference(input_ids, weight):
    # DeepEmbedding.forward with encoder=None: plain embedding lookup.
    # padding_idx row is zero in the table; lookup is a gather.
    out = jnp.take(weight, input_ids, axis=0)
    return out

if __name__ == "__main__":
    import jax
    _d = setup_inputs()
    print(jax.jit(kernel)(*tuple(_d.values())))

</pallas_src>

<mosaic_0001>
#map = affine_map<(d0, d1) -> (0, 0)>
#map1 = affine_map<(d0, d1) -> (0, 0, 0)>
module attributes {stable_mosaic.version = 14 : i64} {
  func.func @k(%arg0: i32, %arg1: i32, %arg2: memref<2048x100xi32, #tpu.memory_space<hbm>>, %arg3: memref<100000x64xf32, #tpu.memory_space<hbm>>, %arg4: memref<4096x50x64xf32, #tpu.memory_space<hbm>>, %arg5: memref<64x100xi32, #tpu.memory_space<vmem>>, %arg6: memref<8x100x64xf32, #tpu.memory_space<vmem>>, %arg7: memref<!tpu.dma_semaphore, #tpu.memory_space<semaphore_mem>>, %arg8: memref<!tpu.dma_semaphore, #tpu.memory_space<semaphore_mem>>) attributes {dimension_semantics = [#tpu.dimension_semantics<core_parallel>, #tpu.dimension_semantics<subcore_parallel>], iteration_bounds = array<i64: 2, 16>, scalar_prefetch = 0 : i64, scratch_operands = 4 : i64, tpu.core_type = #tpu.core_type<sc_vector_subcore>, window_params = [{transform_indices = #map}, {transform_indices = #map}, {transform_indices = #map1}]} {
    %mul3A = arith.constant 2 : i32
    %mul3A_0 = arith.muli %arg1, %mul3A : i32
    %add3A = arith.addi %mul3A_0, %arg0 : i32
    %mul3A_1 = arith.constant 128 : i32
    %mul3A_2 = arith.muli %add3A, %mul3A_1 : i32
    %mul3A_3 = arith.constant 64 : i32
    %mul3A_4 = arith.muli %add3A, %mul3A_3 : i32
    "tpu.region"() ({
      %run_scoped3A = tpu.sem_alloc : memref<!tpu.dma_semaphore, #tpu.memory_space<semaphore_mem>>
      %dma_start3A_254 = arith.constant 0 : i32
      %dma_start3A_255 = tpu.memref_slice %arg2[%mul3A_4, %dma_start3A_254] : memref<2048x100xi32, #tpu.memory_space<hbm>> -> memref<64x100xi32, #tpu.memory_space<hbm>>
      %dma_start3A_256 = arith.constant 0 : i32
      %dma_start3A_257 = tpu.memref_slice %arg2[%mul3A_4, %dma_start3A_256] : memref<2048x100xi32, #tpu.memory_space<hbm>> -> memref<64x100xi32, #tpu.memory_space<hbm>>
      tpu.enqueue_dma source(%dma_start3A_257 : memref<64x100xi32, #tpu.memory_space<hbm>>) target(%arg5 : memref<64x100xi32, #tpu.memory_space<vmem>>) target_semaphore(%run_scoped3A : memref<!tpu.dma_semaphore, #tpu.memory_space<semaphore_mem>>)
      %dma_wait3A_258 = arith.constant 0 : i32
      %dma_wait3A_259 = tpu.memref_slice %arg2[%mul3A_4, %dma_wait3A_258] : memref<2048x100xi32, #tpu.memory_space<hbm>> -> memref<64x100xi32, #tpu.memory_space<hbm>>
      %dma_wait3A_260 = arith.constant 0 : i32
      %dma_wait3A_261 = tpu.memref_slice %arg2[%mul3A_4, %dma_wait3A_260] : memref<2048x100xi32, #tpu.memory_space<hbm>> -> memref<64x100xi32, #tpu.memory_space<hbm>>
      tpu.wait_dma2 semaphore(%run_scoped3A : memref<!tpu.dma_semaphore, #tpu.memory_space<semaphore_mem>>) src(%dma_wait3A_261 : memref<64x100xi32, #tpu.memory_space<hbm>>) dst(%arg5 : memref<64x100xi32, #tpu.memory_space<vmem>>)
      tpu.yield
    }) : () -> ()
    %dma_start3A = arith.constant 0 : i32
    %dma_start3A_5 = arith.constant 0 : i32
    %dma_start3A_6 = arith.constant 0 : i32
    %dma_start3A_7 = arith.constant 0 : i32
    %dma_start3A_8 = tpu.memref_slice %arg6[%dma_start3A_5, %dma_start3A_6, %dma_start3A_7] : memref<8x100x64xf32, #tpu.memory_space<vmem>> -> memref<1x100x64xf32, #tpu.memory_space<vmem>>
    %dma_start3A_9 = tpu.memref_squeeze %dma_start3A_8 : memref<1x100x64xf32, #tpu.memory_space<vmem>> -> memref<100x64xf32, #tpu.memory_space<vmem>>
    %dma_start3A_10 = arith.constant 0 : i32
    %dma_start3A_11 = tpu.memref_slice %arg5[%dma_start3A, %dma_start3A_10] : memref<64x100xi32, #tpu.memory_space<vmem>> -> memref<1x100xi32, #tpu.memory_space<vmem>>
    %dma_start3A_12 = tpu.memref_squeeze %dma_start3A_11 : memref<1x100xi32, #tpu.memory_space<vmem>> -> memref<100xi32, #tpu.memory_space<vmem>>
    %dma_start3A_13 = arith.constant 0 : i32
    %dma_start3A_14 = arith.constant 0 : i32
    %dma_start3A_15 = tpu.memref_slice %arg3[%dma_start3A_13, %dma_start3A_14] : memref<100000x64xf32, #tpu.memory_space<hbm>> -> memref<100000x64xf32, #tpu.memory_space<hbm>>
    tpu.enqueue_indirect_dma source(%dma_start3A_15 : memref<100000x64xf32, #tpu.memory_space<hbm>>) target(%dma_start3A_9 : memref<100x64xf32, #tpu.memory_space<vmem>>) offsets(%dma_start3A_12 : memref<100xi32, #tpu.memory_space<vmem>>) semaphore(%arg7 : memref<!tpu.dma_semaphore, #tpu.memory_space<semaphore_mem>>)
    %dma_start3A_16 = arith.constant 1 : i32
    %dma_start3A_17 = arith.constant 1 : i32
    %dma_start3A_18 = arith.constant 0 : i32
    %dma_start3A_19 = arith.constant 0 : i32
    %dma_start3A_20 = tpu.memref_slice %arg6[%dma_start3A_17, %dma_start3A_18, %dma_start3A_19] : memref<8x100x64xf32, #tpu.memory_space<vmem>> -> memref<1x100x64xf32, #tpu.memory_space<vmem>>
    %dma_start3A_21 = tpu.memref_squeeze %dma_start3A_20 : memref<1x100x64xf32, #tpu.memory_space<vmem>> -> memref<100x64xf32, #tpu.memory_space<vmem>>
    %dma_start3A_22 = arith.constant 0 : i32
    %dma_start3A_23 = tpu.memref_slice %arg5[%dma_start3A_16, %dma_start3A_22] : memref<64x100xi32, #tpu.memory_space<vmem>> -> memref<1x100xi32, #tpu.memory_space<vmem>>
    %dma_start3A_24 = tpu.memref_squeeze %dma_start3A_23 : memref<1x100xi32, #tpu.memory_space<vmem>> -> memref<100xi32, #tpu.memory_space<vmem>>
    %dma_start3A_25 = arith.constant 0 : i32
    %dma_start3A_26 = arith.constant 0 : i32
    %dma_start3A_27 = tpu.memref_slice %arg3[%dma_start3A_25, %dma_start3A_26] : memref<100000x64xf32, #tpu.memory_space<hbm>> -> memref<100000x64xf32, #tpu.memory_space<hbm>>
    tpu.enqueue_indirect_dma source(%dma_start3A_27 : memref<100000x64xf32, #tpu.memory_space<hbm>>) target(%dma_start3A_21 : memref<100x64xf32, #tpu.memory_space<vmem>>) offsets(%dma_start3A_24 : memref<100xi32, #tpu.memory_space<vmem>>) semaphore(%arg7 : memref<!tpu.dma_semaphore, #tpu.memory_space<semaphore_mem>>)
    %dma_start3A_28 = arith.constant 2 : i32
    %dma_start3A_29 = arith.constant 2 : i32
    %dma_start3A_30 = arith.constant 0 : i32
    %dma_start3A_31 = arith.constant 0 : i32
    %dma_start3A_32 = tpu.memref_slice %arg6[%dma_start3A_29, %dma_start3A_30, %dma_start3A_31] : memref<8x100x64xf32, #tpu.memory_space<vmem>> -> memref<1x100x64xf32, #tpu.memory_space<vmem>>
    %dma_start3A_33 = tpu.memref_squeeze %dma_start3A_32 : memref<1x100x64xf32, #tpu.memory_space<vmem>> -> memref<100x64xf32, #tpu.memory_space<vmem>>
    %dma_start3A_34 = arith.constant 0 : i32
    %dma_start3A_35 = tpu.memref_slice %arg5[%dma_start3A_28, %dma_start3A_34] : memref<64x100xi32, #tpu.memory_space<vmem>> -> memref<1x100xi32, #tpu.memory_space<vmem>>
    %dma_start3A_36 = tpu.memref_squeeze %dma_start3A_35 : memref<1x100xi32, #tpu.memory_space<vmem>> -> memref<100xi32, #tpu.memory_space<vmem>>
    %dma_start3A_37 = arith.constant 0 : i32
    %dma_start3A_38 = arith.constant 0 : i32
    %dma_start3A_39 = tpu.memref_slice %arg3[%dma_start3A_37, %dma_start3A_38] : memref<100000x64xf32, #tpu.memory_space<hbm>> -> memref<100000x64xf32, #tpu.memory_space<hbm>>
    tpu.enqueue_indirect_dma source(%dma_start3A_39 : memref<100000x64xf32, #tpu.memory_space<hbm>>) target(%dma_start3A_33 : memref<100x64xf32, #tpu.memory_space<vmem>>) offsets(%dma_start3A_36 : memref<100xi32, #tpu.memory_space<vmem>>) semaphore(%arg7 : memref<!tpu.dma_semaphore, #tpu.memory_space<semaphore_mem>>)
    %scan3A = arith.constant 0 : i32
    %scan3A_40 = arith.constant 0 : i32
    %scan3A_41 = arith.constant 8 : i32
    %scan3A_42 = arith.addi %scan3A_40, %scan3A_41 : i32
    %scan3A_43 = arith.constant 1 : i32
    scf.for %scan3A_254 = %scan3A_40 to %scan3A_42 step %scan3A_43  : i32 {
      %mul3A_255 = arith.constant 8 : i32
      %mul3A_256 = arith.muli %mul3A_255, %scan3A_254 : i32
      %add3A_257 = arith.constant 0 : i32
      %add3A_258 = arith.addi %mul3A_256, %add3A_257 : i32
      %sub3A = arith.constant 5 : i32
      %sub3A_259 = arith.subi %add3A_258, %sub3A : i32
      %ge3A = arith.constant 0 : i32
      %ge3A_260 = arith.cmpi sge, %sub3A_259, %ge3A : i32
      %convert_element_type3A = arith.extui %ge3A_260 : i1 to i32
      %cond3A = arith.constant 0 : i32
      %cond3A_261 = arith.cmpi ne, %convert_element_type3A, %cond3A : i32
      scf.if %cond3A_261 {
        %sub3A_834 = arith.constant 5 : i32
        %sub3A_835 = arith.subi %add3A_258, %sub3A_834 : i32
        %mul3A_836 = arith.constant 2 : i32
        %mul3A_837 = arith.muli %mul3A_836, %sub3A_835 : i32
        %add3A_838 = arith.addi %mul3A_2, %mul3A_837 : i32
        %add3A_839 = arith.constant 0 : i32
        %add3A_840 = arith.addi %add3A_838, %add3A_839 : i32
        %dma_wait3A_841 = arith.constant 3 : i32
        %dma_wait3A_842 = arith.constant 0 : i32
        %dma_wait3A_843 = arith.constant 0 : i32
        %dma_wait3A_844 = tpu.memref_slice %arg6[%dma_wait3A_841, %dma_wait3A_842, %dma_wait3A_843] : memref<8x100x64xf32, #tpu.memory_space<vmem>> -> memref<1x50x64xf32, #tpu.memory_space<vmem>>
        %dma_wait3A_845 = tpu.memref_squeeze %dma_wait3A_844 : memref<1x50x64xf32, #tpu.memory_space<vmem>> -> memref<50x64xf32, #tpu.memory_space<vmem>>
        %dma_wait3A_846 = arith.constant 0 : i32
        %dma_wait3A_847 = arith.constant 0 : i32
        %dma_wait3A_848 = tpu.memref_slice %arg4[%add3A_840, %dma_wait3A_846, %dma_wait3A_847] : memref<4096x50x64xf32, #tpu.memory_space<hbm>> -> memref<1x50x64xf32, #tpu.memory_space<hbm>>
        %dma_wait3A_849 = tpu.memref_squeeze %dma_wait3A_848 : memref<1x50x64xf32, #tpu.memory_space<hbm>> -> memref<50x64xf32, #tpu.memory_space<hbm>>
        %dma_wait3A_850 = arith.constant 0 : i32
        %dma_wait3A_851 = arith.constant 0 : i32
        %dma_wait3A_852 = tpu.memref_slice %arg4[%add3A_840, %dma_wait3A_850, %dma_wait3A_851] : memref<4096x50x64xf32, #tpu.memory_space<hbm>> -> memref<1x50x64xf32, #tpu.memory_space<hbm>>
        %dma_wait3A_853 = tpu.memref_squeeze %dma_wait3A_852 : memref<1x50x64xf32, #tpu.memory_space<hbm>> -> memref<50x64xf32, #tpu.memory_space<hbm>>
        %dma_wait3A_854 = arith.constant 0 : i32
        %dma_wait3A_855 = arith.constant 0 : i32
        %dma_wait3A_856 = tpu.memref_slice %arg6[%dma_wait3A_841, %dma_wait3A_854, %dma_wait3A_855] : memref<8x100x64xf32, #tpu.memory_space<vmem>> -> memref<1x50x64xf32, #tpu.memory_space<vmem>>
        %dma_wait3A_857 = tpu.memref_squeeze %dma_wait3A_856 : memref<1x50x64xf32, #tpu.memory_space<vmem>> -> memref<50x64xf32, #tpu.memory_space<vmem>>
        tpu.wait_dma2 semaphore(%arg8 : memref<!tpu.dma_semaphore, #tpu.memory_space<semaphore_mem>>) src(%dma_wait3A_857 : memref<50x64xf32, #tpu.memory_space<vmem>>) dst(%dma_wait3A_853 : memref<50x64xf32, #tpu.memory_space<hbm>>)
        %sub3A_858 = arith.constant 5 : i32
        %sub3A_859 = arith.subi %add3A_258, %sub3A_858 : i32
        %mul3A_860 = arith.constant 2 : i32
        %mul3A_861 = arith.muli %mul3A_860, %sub3A_859 : i32
        %add3A_862 = arith.addi %mul3A_2, %mul3A_861 : i32
        %add3A_863 = arith.constant 1 : i32
        %add3A_864 = arith.addi %add3A_862, %add3A_863 : i32
        %dma_wait3A_865 = arith.constant 3 : i32
        %dma_wait3A_866 = arith.constant 50 : i32
        %dma_wait3A_867 = arith.constant 0 : i32
        %dma_wait3A_868 = tpu.memref_slice %arg6[%dma_wait3A_865, %dma_wait3A_866, %dma_wait3A_867] : memref<8x100x64xf32, #tpu.memory_space<vmem>> -> memref<1x50x64xf32, #tpu.memory_space<vmem>>
        %dma_wait3A_869 = tpu.memref_squeeze %dma_wait3A_868 : memref<1x50x64xf32, #tpu.memory_space<vmem>> -> memref<50x64xf32, #tpu.memory_space<vmem>>
        %dma_wait3A_870 = arith.constant 0 : i32
        %dma_wait3A_871 = arith.constant 0 : i32
        %dma_wait3A_872 = tpu.memref_slice %arg4[%add3A_864, %dma_wait3A_870, %dma_wait3A_871] : memref<4096x50x64xf32, #tpu.memory_space<hbm>> -> memref<1x50x64xf32, #tpu.memory_space<hbm>>
        %dma_wait3A_873 = tpu.memref_squeeze %dma_wait3A_872 : memref<1x50x64xf32, #tpu.memory_space<hbm>> -> memref<50x64xf32, #tpu.memory_space<hbm>>
        %dma_wait3A_874 = arith.constant 0 : i32
        %dma_wait3A_875 = arith.constant 0 : i32
        %dma_wait3A_876 = tpu.memref_slice %arg4[%add3A_864, %dma_wait3A_874, %dma_wait3A_875] : memref<4096x50x64xf32, #tpu.memory_space<hbm>> -> memref<1x50x64xf32, #tpu.memory_space<hbm>>
        %dma_wait3A_877 = tpu.memref_squeeze %dma_wait3A_876 : memref<1x50x64xf32, #tpu.memory_space<hbm>> -> memref<50x64xf32, #tpu.memory_space<hbm>>
        %dma_wait3A_878 = arith.constant 50 : i32
        %dma_wait3A_879 = arith.constant 0 : i32
        %dma_wait3A_880 = tpu.memref_slice %arg6[%dma_wait3A_865, %dma_wait3A_878, %dma_wait3A_879] : memref<8x100x64xf32, #tpu.memory_space<vmem>> -> memref<1x50x64xf32, #tpu.memory_space<vmem>>
        %dma_wait3A_881 = tpu.memref_squeeze %dma_wait3A_880 : memref<1x50x64xf32, #tpu.memory_space<vmem>> -> memref<50x64xf32, #tpu.memory_space<vmem>>
        tpu.wait_dma2 semaphore(%arg8 : memref<!tpu.dma_semaphore, #tpu.memory_space<semaphore_mem>>) src(%dma_wait3A_881 : memref<50x64xf32, #tpu.memory_space<vmem>>) dst(%dma_wait3A_877 : memref<50x64xf32, #tpu.memory_space<hbm>>)
      } else {
      }
      %add3A_262 = arith.constant 3 : i32
      %add3A_263 = arith.addi %add3A_258, %add3A_262 : i32
      %lt3A = arith.constant 64 : i32
      %lt3A_264 = arith.cmpi slt, %add3A_263, %lt3A : i32
      %convert_element_type3A_265 = arith.extui %lt3A_264 : i1 to i32
      %cond3A_266 = arith.constant 0 : i32
      %cond3A_267 = arith.cmpi ne, %convert_element_type3A_265, %cond3A_266 : i32
      scf.if %cond3A_267 {
        %add3A_834 = arith.constant 3 : i32
        %add3A_835 = arith.addi %add3A_258, %add3A_834 : i32
        %dma_start3A_836 = arith.constant 3 : i32
        %dma_start3A_837 = arith.constant 0 : i32
        %dma_start3A_838 = arith.constant 0 : i32
        %dma_start3A_839 = tpu.memref_slice %arg6[%dma_start3A_836, %dma_start3A_837, %dma_start3A_838] : memref<8x100x64xf32, #tpu.memory_space<vmem>> -> memref<1x100x64xf32, #tpu.memory_space<vmem>>
        %dma_start3A_840 = tpu.memref_squeeze %dma_start3A_839 : memref<1x100x64xf32, #tpu.memory_space<vmem>> -> memref<100x64xf32, #tpu.memory_space<vmem>>
        %dma_start3A_841 = arith.constant 0 : i32
        %dma_start3A_842 = tpu.memref_slice %arg5[%add3A_835, %dma_start3A_841] : memref<64x100xi32, #tpu.memory_space<vmem>> -> memref<1x100xi32, #tpu.memory_space<vmem>>
        %dma_start3A_843 = tpu.memref_squeeze %dma_start3A_842 : memref<1x100xi32, #tpu.memory_space<vmem>> -> memref<100xi32, #tpu.memory_space<vmem>>
        %dma_start3A_844 = arith.constant 0 : i32
        %dma_start3A_845 = arith.constant 0 : i32
        %dma_start3A_846 = tpu.memref_slice %arg3[%dma_start3A_844, %dma_start3A_845] : memref<100000x64xf32, #tpu.memory_space<hbm>> -> memref<100000x64xf32, #tpu.memory_space<hbm>>
        tpu.enqueue_indirect_dma source(%dma_start3A_846 : memref<100000x64xf32, #tpu.memory_space<hbm>>) target(%dma_start3A_840 : memref<100x64xf32, #tpu.memory_space<vmem>>) offsets(%dma_start3A_843 : memref<100xi32, #tpu.memory_space<vmem>>) semaphore(%arg7 : memref<!tpu.dma_semaphore, #tpu.memory_space<semaphore_mem>>)
      } else {
      }
      %dma_wait3A_268 = arith.constant 0 : i32
      %dma_wait3A_269 = arith.constant 0 : i32
      %dma_wait3A_270 = arith.constant 0 : i32
      %dma_wait3A_271 = tpu.memref_slice %arg6[%dma_wait3A_268, %dma_wait3A_269, %dma_wait3A_270] : memref<8x100x64xf32, #tpu.memory_space<vmem>> -> memref<1x100x64xf32, #tpu.memory_space<vmem>>
      %dma_wait3A_272 = tpu.memref_squeeze %dma_wait3A_271 : memref<1x100x64xf32, #tpu.memory_space<vmem>> -> memref<100x64xf32, #tpu.memory_space<vmem>>
      %dma_wait3A_273 = arith.constant 0 : i32
      %dma_wait3A_274 = tpu.memref_slice %arg5[%add3A_258, %dma_wait3A_273] : memref<64x100xi32, #tpu.memory_space<vmem>> -> memref<1x100xi32, #tpu.memory_space<vmem>>
      %dma_wait3A_275 = tpu.memref_squeeze %dma_wait3A_274 : memref<1x100xi32, #tpu.memory_space<vmem>> -> memref<100xi32, #tpu.memory_space<vmem>>
      %dma_wait3A_276 = arith.constant 0 : i32
      %dma_wait3A_277 = arith.constant 0 : i32
      %dma_wait3A_278 = tpu.memref_slice %arg3[%dma_wait3A_276, %dma_wait3A_277] : memref<100000x64xf32, #tpu.memory_space<hbm>> -> memref<100000x64xf32, #tpu.memory_space<hbm>>
      tpu.wait_indirect_dma semaphore(%arg7 : memref<!tpu.dma_semaphore, #tpu.memory_space<semaphore_mem>>) src(%dma_wait3A_278 : memref<100000x64xf32, #tpu.memory_space<hbm>>) dst(%dma_wait3A_272 : memref<100x64xf32, #tpu.memory_space<vmem>>)
      %mul3A_279 = arith.constant 2 : i32
      %mul3A_280 = arith.muli %mul3A_279, %add3A_258 : i32
      %add3A_281 = arith.addi %mul3A_2, %mul3A_280 : i32
      %add3A_282 = arith.constant 0 : i32
      %add3A_283 = arith.addi %add3A_281, %add3A_282 : i32
      %dma_start3A_284 = arith.constant 0 : i32
      %dma_start3A_285 = arith.constant 0 : i32
      %dma_start3A_286 = arith.constant 0 : i32
      %dma_start3A_287 = tpu.memref_slice %arg6[%dma_start3A_284, %dma_start3A_285, %dma_start3A_286] : memref<8x100x64xf32, #tpu.memory_space<vmem>> -> memref<1x50x64xf32, #tpu.memory_space<vmem>>
      %dma_start3A_288 = tpu.memref_squeeze %dma_start3A_287 : memref<1x50x64xf32, #tpu.memory_space<vmem>> -> memref<50x64xf32, #tpu.memory_space<vmem>>
      %dma_start3A_289 = arith.constant 0 : i32
      %dma_start3A_290 = arith.constant 0 : i32
      %dma_start3A_291 = tpu.memref_slice %arg4[%add3A_283, %dma_start3A_289, %dma_start3A_290] : memref<4096x50x64xf32, #tpu.memory_space<hbm>> -> memref<1x50x64xf32, #tpu.memory_space<hbm>>
      %dma_start3A_292 = tpu.memref_squeeze %dma_start3A_291 : memref<1x50x64xf32, #tpu.memory_space<hbm>> -> memref<50x64xf32, #tpu.memory_space<hbm>>
      %dma_start3A_293 = arith.constant 0 : i32
      %dma_start3A_294 = arith.constant 0 : i32
      %dma_start3A_295 = tpu.memref_slice %arg4[%add3A_283, %dma_start3A_293, %dma_start3A_294] : memref<4096x50x64xf32, #tpu.memory_space<hbm>> -> memref<1x50x64xf32, #tpu.memory_space<hbm>>
      %dma_start3A_296 = tpu.memref_squeeze %dma_start3A_295 : memref<1x50x64xf32, #tpu.memory_space<hbm>> -> memref<50x64xf32, #tpu.memory_space<hbm>>
      %dma_start3A_297 = arith.constant 0 : i32
      %dma_start3A_298 = arith.constant 0 : i32
      %dma_start3A_299 = tpu.memref_slice %arg6[%dma_start3A_284, %dma_start3A_297, %dma_start3A_298] : memref<8x100x64xf32, #tpu.memory_space<vmem>> -> memref<1x50x64xf32, #tpu.memory_space<vmem>>
      %dma_start3A_300 = tpu.memref_squeeze %dma_start3A_299 : memref<1x50x64xf32, #tpu.memory_space<vmem>> -> memref<50x64xf32, #tpu.memory_space<vmem>>
      tpu.enqueue_dma source(%dma_start3A_300 : memref<50x64xf32, #tpu.memory_space<vmem>>) target(%dma_start3A_296 : memref<50x64xf32, #tpu.memory_space<hbm>>) target_semaphore(%arg8 : memref<!tpu.dma_semaphore, #tpu.memory_space<semaphore_mem>>)
      %mul3A_301 = arith.constant 2 : i32
      %mul3A_302 = arith.muli %mul3A_301, %add3A_258 : i32
      %add3A_303 = arith.addi %mul3A_2, %mul3A_302 : i32
      %add3A_304 = arith.constant 1 : i32
      %add3A_305 = arith.addi %add3A_303, %add3A_304 : i32
      %dma_start3A_306 = arith.constant 0 : i32
      %dma_start3A_307 = arith.constant 50 : i32
      %dma_start3A_308 = arith.constant 0 : i32
      %dma_start3A_309 = tpu.memref_slice %arg6[%dma_start3A_306, %dma_start3A_307, %dma_start3A_308] : memref<8x100x64xf32, #tpu.memory_space<vmem>> -> memref<1x50x64xf32, #tpu.memory_space<vmem>>
      %dma_start3A_310 = tpu.memref_squeeze %dma_start3A_309 : memref<1x50x64xf32, #tpu.memory_space<vmem>> -> memref<50x64xf32, #tpu.memory_space<vmem>>
      %dma_start3A_311 = arith.constant 0 : i32
      %dma_start3A_312 = arith.constant 0 : i32
      %dma_start3A_313 = tpu.memref_slice %arg4[%add3A_305, %dma_start3A_311, %dma_start3A_312] : memref<4096x50x64xf32, #tpu.memory_space<hbm>> -> memref<1x50x64xf32, #tpu.memory_space<hbm>>
      %dma_start3A_314 = tpu.memref_squeeze %dma_start3A_313 : memref<1x50x64xf32, #tpu.memory_space<hbm>> -> memref<50x64xf32, #tpu.memory_space<hbm>>
      %dma_start3A_315 = arith.constant 0 : i32
      %dma_start3A_316 = arith.constant 0 : i32
      %dma_start3A_317 = tpu.memref_slice %arg4[%add3A_305, %dma_start3A_315, %dma_start3A_316] : memref<4096x50x64xf32, #tpu.memory_space<hbm>> -> memref<1x50x64xf32, #tpu.memory_space<hbm>>
      %dma_start3A_318 = tpu.memref_squeeze %dma_start3A_317 : memref<1x50x64xf32, #tpu.memory_space<hbm>> -> memref<50x64xf32, #tpu.memory_space<hbm>>
      %dma_start3A_319 = arith.constant 50 : i32
      %dma_start3A_320 = arith.constant 0 : i32
      %dma_start3A_321 = tpu.memref_slice %arg6[%dma_start3A_306, %dma_start3A_319, %dma_start3A_320] : memref<8x100x64xf32, #tpu.memory_space<vmem>> -> memref<1x50x64xf32, #tpu.memory_space<vmem>>
      %dma_start3A_322 = tpu.memref_squeeze %dma_start3A_321 : memref<1x50x64xf32, #tpu.memory_space<vmem>> -> memref<50x64xf32, #tpu.memory_space<vmem>>
      tpu.enqueue_dma source(%dma_start3A_322 : memref<50x64xf32, #tpu.memory_space<vmem>>) target(%dma_start3A_318 : memref<50x64xf32, #tpu.memory_space<hbm>>) target_semaphore(%arg8 : memref<!tpu.dma_semaphore, #tpu.memory_space<semaphore_mem>>)
      %mul3A_323 = arith.constant 8 : i32
      %mul3A_324 = arith.muli %mul3A_323, %scan3A_254 : i32
      %add3A_325 = arith.constant 1 : i32
      %add3A_326 = arith.addi %mul3A_324, %add3A_325 : i32
      %sub3A_327 = arith.constant 5 : i32
      %sub3A_328 = arith.subi %add3A_326, %sub3A_327 : i32
      %ge3A_329 = arith.constant 0 : i32
      %ge3A_330 = arith.cmpi sge, %sub3A_328, %ge3A_329 : i32
      %convert_element_type3A_331 = arith.extui %ge3A_330 : i1 to i32
      %cond3A_332 = arith.constant 0 : i32
      %cond3A_333 = arith.cmpi ne, %convert_element_type3A_331, %cond3A_332 : i32
      scf.if %cond3A_333 {
        %sub3A_834 = arith.constant 5 : i32
        %sub3A_835 = arith.subi %add3A_326, %sub3A_834 : i32
        %mul3A_836 = arith.constant 2 : i32
        %mul3A_837 = arith.muli %mul3A_836, %sub3A_835 : i32
        %add3A_838 = arith.addi %mul3A_2, %mul3A_837 : i32
        %add3A_839 = arith.constant 0 : i32
        %add3A_840 = arith.addi %add3A_838, %add3A_839 : i32
        %dma_wait3A_841 = arith.constant 4 : i32
        %dma_wait3A_842 = arith.constant 0 : i32
        %dma_wait3A_843 = arith.constant 0 : i32
        %dma_wait3A_844 = tpu.memref_slice %arg6[%dma_wait3A_841, %dma_wait3A_842, %dma_wait3A_843] : memref<8x100x64xf32, #tpu.memory_space<vmem>> -> memref<1x50x64xf32, #tpu.memory_space<vmem>>
        %dma_wait3A_845 = tpu.memref_squeeze %dma_wait3A_844 : memref<1x50x64xf32, #tpu.memory_space<vmem>> -> memref<50x64xf32, #tpu.memory_space<vmem>>
        %dma_wait3A_846 = arith.constant 0 : i32
        %dma_wait3A_847 = arith.constant 0 : i32
        %dma_wait3A_848 = tpu.memref_slice %arg4[%add3A_840, %dma_wait3A_846, %dma_wait3A_847] : memref<4096x50x64xf32, #tpu.memory_space<hbm>> -> memref<1x50x64xf32, #tpu.memory_space<hbm>>
        %dma_wait3A_849 = tpu.memref_squeeze %dma_wait3A_848 : memref<1x50x64xf32, #tpu.memory_space<hbm>> -> memref<50x64xf32, #tpu.memory_space<hbm>>
        %dma_wait3A_850 = arith.constant 0 : i32
        %dma_wait3A_851 = arith.constant 0 : i32
        %dma_wait3A_852 = tpu.memref_slice %arg4[%add3A_840, %dma_wait3A_850, %dma_wait3A_851] : memref<4096x50x64xf32, #tpu.memory_space<hbm>> -> memref<1x50x64xf32, #tpu.memory_space<hbm>>
        %dma_wait3A_853 = tpu.memref_squeeze %dma_wait3A_852 : memref<1x50x64xf32, #tpu.memory_space<hbm>> -> memref<50x64xf32, #tpu.memory_space<hbm>>
        %dma_wait3A_854 = arith.constant 0 : i32
        %dma_wait3A_855 = arith.constant 0 : i32
        %dma_wait3A_856 = tpu.memref_slice %arg6[%dma_wait3A_841, %dma_wait3A_854, %dma_wait3A_855] : memref<8x100x64xf32, #tpu.memory_space<vmem>> -> memref<1x50x64xf32, #tpu.memory_space<vmem>>
        %dma_wait3A_857 = tpu.memref_squeeze %dma_wait3A_856 : memref<1x50x64xf32, #tpu.memory_space<vmem>> -> memref<50x64xf32, #tpu.memory_space<vmem>>
        tpu.wait_dma2 semaphore(%arg8 : memref<!tpu.dma_semaphore, #tpu.memory_space<semaphore_mem>>) src(%dma_wait3A_857 : memref<50x64xf32, #tpu.memory_space<vmem>>) dst(%dma_wait3A_853 : memref<50x64xf32, #tpu.memory_space<hbm>>)
        %sub3A_858 = arith.constant 5 : i32
        %sub3A_859 = arith.subi %add3A_326, %sub3A_858 : i32
        %mul3A_860 = arith.constant 2 : i32
        %mul3A_861 = arith.muli %mul3A_860, %sub3A_859 : i32
        %add3A_862 = arith.addi %mul3A_2, %mul3A_861 : i32
        %add3A_863 = arith.constant 1 : i32
        %add3A_864 = arith.addi %add3A_862, %add3A_863 : i32
        %dma_wait3A_865 = arith.constant 4 : i32
        %dma_wait3A_866 = arith.constant 50 : i32
        %dma_wait3A_867 = arith.constant 0 : i32
        %dma_wait3A_868 = tpu.memref_slice %arg6[%dma_wait3A_865, %dma_wait3A_866, %dma_wait3A_867] : memref<8x100x64xf32, #tpu.memory_space<vmem>> -> memref<1x50x64xf32, #tpu.memory_space<vmem>>
        %dma_wait3A_869 = tpu.memref_squeeze %dma_wait3A_868 : memref<1x50x64xf32, #tpu.memory_space<vmem>> -> memref<50x64xf32, #tpu.memory_space<vmem>>
        %dma_wait3A_870 = arith.constant 0 : i32
        %dma_wait3A_871 = arith.constant 0 : i32
        %dma_wait3A_872 = tpu.memref_slice %arg4[%add3A_864, %dma_wait3A_870, %dma_wait3A_871] : memref<4096x50x64xf32, #tpu.memory_space<hbm>> -> memref<1x50x64xf32, #tpu.memory_space<hbm>>
        %dma_wait3A_873 = tpu.memref_squeeze %dma_wait3A_872 : memref<1x50x64xf32, #tpu.memory_space<hbm>> -> memref<50x64xf32, #tpu.memory_space<hbm>>
        %dma_wait3A_874 = arith.constant 0 : i32
        %dma_wait3A_875 = arith.constant 0 : i32
        %dma_wait3A_876 = tpu.memref_slice %arg4[%add3A_864, %dma_wait3A_874, %dma_wait3A_875] : memref<4096x50x64xf32, #tpu.memory_space<hbm>> -> memref<1x50x64xf32, #tpu.memory_space<hbm>>
        %dma_wait3A_877 = tpu.memref_squeeze %dma_wait3A_876 : memref<1x50x64xf32, #tpu.memory_space<hbm>> -> memref<50x64xf32, #tpu.memory_space<hbm>>
        %dma_wait3A_878 = arith.constant 50 : i32
        %dma_wait3A_879 = arith.constant 0 : i32
        %dma_wait3A_880 = tpu.memref_slice %arg6[%dma_wait3A_865, %dma_wait3A_878, %dma_wait3A_879] : memref<8x100x64xf32, #tpu.memory_space<vmem>> -> memref<1x50x64xf32, #tpu.memory_space<vmem>>
        %dma_wait3A_881 = tpu.memref_squeeze %dma_wait3A_880 : memref<1x50x64xf32, #tpu.memory_space<vmem>> -> memref<50x64xf32, #tpu.memory_space<vmem>>
        tpu.wait_dma2 semaphore(%arg8 : memref<!tpu.dma_semaphore, #tpu.memory_space<semaphore_mem>>) src(%dma_wait3A_881 : memref<50x64xf32, #tpu.memory_space<vmem>>) dst(%dma_wait3A_877 : memref<50x64xf32, #tpu.memory_space<hbm>>)
      } else {
      }
      %add3A_334 = arith.constant 3 : i32
      %add3A_335 = arith.addi %add3A_326, %add3A_334 : i32
      %lt3A_336 = arith.constant 64 : i32
      %lt3A_337 = arith.cmpi slt, %add3A_335, %lt3A_336 : i32
      %convert_element_type3A_338 = arith.extui %lt3A_337 : i1 to i32
      %cond3A_339 = arith.constant 0 : i32
      %cond3A_340 = arith.cmpi ne, %convert_element_type3A_338, %cond3A_339 : i32
      scf.if %cond3A_340 {
        %add3A_834 = arith.constant 3 : i32
        %add3A_835 = arith.addi %add3A_326, %add3A_834 : i32
        %dma_start3A_836 = arith.constant 4 : i32
        %dma_start3A_837 = arith.constant 0 : i32
        %dma_start3A_838 = arith.constant 0 : i32
        %dma_start3A_839 = tpu.memref_slice %arg6[%dma_start3A_836, %dma_start3A_837, %dma_start3A_838] : memref<8x100x64xf32, #tpu.memory_space<vmem>> -> memref<1x100x64xf32, #tpu.memory_space<vmem>>
        %dma_start3A_840 = tpu.memref_squeeze %dma_start3A_839 : memref<1x100x64xf32, #tpu.memory_space<vmem>> -> memref<100x64xf32, #tpu.memory_space<vmem>>
        %dma_start3A_841 = arith.constant 0 : i32
        %dma_start3A_842 = tpu.memref_slice %arg5[%add3A_835, %dma_start3A_841] : memref<64x100xi32, #tpu.memory_space<vmem>> -> memref<1x100xi32, #tpu.memory_space<vmem>>
        %dma_start3A_843 = tpu.memref_squeeze %dma_start3A_842 : memref<1x100xi32, #tpu.memory_space<vmem>> -> memref<100xi32, #tpu.memory_space<vmem>>
        %dma_start3A_844 = arith.constant 0 : i32
        %dma_start3A_845 = arith.constant 0 : i32
        %dma_start3A_846 = tpu.memref_slice %arg3[%dma_start3A_844, %dma_start3A_845] : memref<100000x64xf32, #tpu.memory_space<hbm>> -> memref<100000x64xf32, #tpu.memory_space<hbm>>
        tpu.enqueue_indirect_dma source(%dma_start3A_846 : memref<100000x64xf32, #tpu.memory_space<hbm>>) target(%dma_start3A_840 : memref<100x64xf32, #tpu.memory_space<vmem>>) offsets(%dma_start3A_843 : memref<100xi32, #tpu.memory_space<vmem>>) semaphore(%arg7 : memref<!tpu.dma_semaphore, #tpu.memory_space<semaphore_mem>>)
      } else {
      }
      %dma_wait3A_341 = arith.constant 1 : i32
      %dma_wait3A_342 = arith.constant 0 : i32
      %dma_wait3A_343 = arith.constant 0 : i32
      %dma_wait3A_344 = tpu.memref_slice %arg6[%dma_wait3A_341, %dma_wait3A_342, %dma_wait3A_343] : memref<8x100x64xf32, #tpu.memory_space<vmem>> -> memref<1x100x64xf32, #tpu.memory_space<vmem>>
      %dma_wait3A_345 = tpu.memref_squeeze %dma_wait3A_344 : memref<1x100x64xf32, #tpu.memory_space<vmem>> -> memref<100x64xf32, #tpu.memory_space<vmem>>
      %dma_wait3A_346 = arith.constant 0 : i32
      %dma_wait3A_347 = tpu.memref_slice %arg5[%add3A_326, %dma_wait3A_346] : memref<64x100xi32, #tpu.memory_space<vmem>> -> memref<1x100xi32, #tpu.memory_space<vmem>>
      %dma_wait3A_348 = tpu.memref_squeeze %dma_wait3A_347 : memref<1x100xi32, #tpu.memory_space<vmem>> -> memref<100xi32, #tpu.memory_space<vmem>>
      %dma_wait3A_349 = arith.constant 0 : i32
      %dma_wait3A_350 = arith.constant 0 : i32
      %dma_wait3A_351 = tpu.memref_slice %arg3[%dma_wait3A_349, %dma_wait3A_350] : memref<100000x64xf32, #tpu.memory_space<hbm>> -> memref<100000x64xf32, #tpu.memory_space<hbm>>
      tpu.wait_indirect_dma semaphore(%arg7 : memref<!tpu.dma_semaphore, #tpu.memory_space<semaphore_mem>>) src(%dma_wait3A_351 : memref<100000x64xf32, #tpu.memory_space<hbm>>) dst(%dma_wait3A_345 : memref<100x64xf32, #tpu.memory_space<vmem>>)
      %mul3A_352 = arith.constant 2 : i32
      %mul3A_353 = arith.muli %mul3A_352, %add3A_326 : i32
      %add3A_354 = arith.addi %mul3A_2, %mul3A_353 : i32
      %add3A_355 = arith.constant 0 : i32
      %add3A_356 = arith.addi %add3A_354, %add3A_355 : i32
      %dma_start3A_357 = arith.constant 1 : i32
      %dma_start3A_358 = arith.constant 0 : i32
      %dma_start3A_359 = arith.constant 0 : i32
      %dma_start3A_360 = tpu.memref_slice %arg6[%dma_start3A_357, %dma_start3A_358, %dma_start3A_359] : memref<8x100x64xf32, #tpu.memory_space<vmem>> -> memref<1x50x64xf32, #tpu.memory_space<vmem>>
      %dma_start3A_361 = tpu.memref_squeeze %dma_start3A_360 : memref<1x50x64xf32, #tpu.memory_space<vmem>> -> memref<50x64xf32, #tpu.memory_space<vmem>>
      %dma_start3A_362 = arith.constant 0 : i32
      %dma_start3A_363 = arith.constant 0 : i32
      %dma_start3A_364 = tpu.memref_slice %arg4[%add3A_356, %dma_start3A_362, %dma_start3A_363] : memref<4096x50x64xf32, #tpu.memory_space<hbm>> -> memref<1x50x64xf32, #tpu.memory_space<hbm>>
      %dma_start3A_365 = tpu.memref_squeeze %dma_start3A_364 : memref<1x50x64xf32, #tpu.memory_space<hbm>> -> memref<50x64xf32, #tpu.memory_space<hbm>>
      %dma_start3A_366 = arith.constant 0 : i32
      %dma_start3A_367 = arith.constant 0 : i32
      %dma_start3A_368 = tpu.memref_slice %arg4[%add3A_356, %dma_start3A_366, %dma_start3A_367] : memref<4096x50x64xf32, #tpu.memory_space<hbm>> -> memref<1x50x64xf32, #tpu.memory_space<hbm>>
      %dma_start3A_369 = tpu.memref_squeeze %dma_start3A_368 : memref<1x50x64xf32, #tpu.memory_space<hbm>> -> memref<50x64xf32, #tpu.memory_space<hbm>>
      %dma_start3A_370 = arith.constant 0 : i32
      %dma_start3A_371 = arith.constant 0 : i32
      %dma_start3A_372 = tpu.memref_slice %arg6[%dma_start3A_357, %dma_start3A_370, %dma_start3A_371] : memref<8x100x64xf32, #tpu.memory_space<vmem>> -> memref<1x50x64xf32, #tpu.memory_space<vmem>>
      %dma_start3A_373 = tpu.memref_squeeze %dma_start3A_372 : memref<1x50x64xf32, #tpu.memory_space<vmem>> -> memref<50x64xf32, #tpu.memory_space<vmem>>
      tpu.enqueue_dma source(%dma_start3A_373 : memref<50x64xf32, #tpu.memory_space<vmem>>) target(%dma_start3A_369 : memref<50x64xf32, #tpu.memory_space<hbm>>) target_semaphore(%arg8 : memref<!tpu.dma_semaphore, #tpu.memory_space<semaphore_mem>>)
      %mul3A_374 = arith.constant 2 : i32
      %mul3A_375 = arith.muli %mul3A_374, %add3A_326 : i32
      %add3A_376 = arith.addi %mul3A_2, %mul3A_375 : i32
      %add3A_377 = arith.constant 1 : i32
      %add3A_378 = arith.addi %add3A_376, %add3A_377 : i32
      %dma_start3A_379 = arith.constant 1 : i32
      %dma_start3A_380 = arith.constant 50 : i32
      %dma_start3A_381 = arith.constant 0 : i32
      %dma_start3A_382 = tpu.memref_slice %arg6[%dma_start3A_379, %dma_start3A_380, %dma_start3A_381] : memref<8x100x64xf32, #tpu.memory_space<vmem>> -> memref<1x50x64xf32, #tpu.memory_space<vmem>>
      %dma_start3A_383 = tpu.memref_squeeze %dma_start3A_382 : memref<1x50x64xf32, #tpu.memory_space<vmem>> -> memref<50x64xf32, #tpu.memory_space<vmem>>
      %dma_start3A_384 = arith.constant 0 : i32
      %dma_start3A_385 = arith.constant 0 : i32
      %dma_start3A_386 = tpu.memref_slice %arg4[%add3A_378, %dma_start3A_384, %dma_start3A_385] : memref<4096x50x64xf32, #tpu.memory_space<hbm>> -> memref<1x50x64xf32, #tpu.memory_space<hbm>>
      %dma_start3A_387 = tpu.memref_squeeze %dma_start3A_386 : memref<1x50x64xf32, #tpu.memory_space<hbm>> -> memref<50x64xf32, #tpu.memory_space<hbm>>
      %dma_start3A_388 = arith.constant 0 : i32
      %dma_start3A_389 = arith.constant 0 : i32
      %dma_start3A_390 = tpu.memref_slice %arg4[%add3A_378, %dma_start3A_388, %dma_start3A_389] : memref<4096x50x64xf32, #tpu.memory_space<hbm>> -> memref<1x50x64xf32, #tpu.memory_space<hbm>>
      %dma_start3A_391 = tpu.memref_squeeze %dma_start3A_390 : memref<1x50x64xf32, #tpu.memory_space<hbm>> -> memref<50x64xf32, #tpu.memory_space<hbm>>
      %dma_start3A_392 = arith.constant 50 : i32
      %dma_start3A_393 = arith.constant 0 : i32
      %dma_start3A_394 = tpu.memref_slice %arg6[%dma_start3A_379, %dma_start3A_392, %dma_start3A_393] : memref<8x100x64xf32, #tpu.memory_space<vmem>> -> memref<1x50x64xf32, #tpu.memory_space<vmem>>
      %dma_start3A_395 = tpu.memref_squeeze %dma_start3A_394 : memref<1x50x64xf32, #tpu.memory_space<vmem>> -> memref<50x64xf32, #tpu.memory_space<vmem>>
      tpu.enqueue_dma source(%dma_start3A_395 : memref<50x64xf32, #tpu.memory_space<vmem>>) target(%dma_start3A_391 : memref<50x64xf32, #tpu.memory_space<hbm>>) target_semaphore(%arg8 : memref<!tpu.dma_semaphore, #tpu.memory_space<semaphore_mem>>)
      %mul3A_396 = arith.constant 8 : i32
      %mul3A_397 = arith.muli %mul3A_396, %scan3A_254 : i32
      %add3A_398 = arith.constant 2 : i32
      %add3A_399 = arith.addi %mul3A_397, %add3A_398 : i32
      %sub3A_400 = arith.constant 5 : i32
      %sub3A_401 = arith.subi %add3A_399, %sub3A_400 : i32
      %ge3A_402 = arith.constant 0 : i32
      %ge3A_403 = arith.cmpi sge, %sub3A_401, %ge3A_402 : i32
      %convert_element_type3A_404 = arith.extui %ge3A_403 : i1 to i32
      %cond3A_405 = arith.constant 0 : i32
      %cond3A_406 = arith.cmpi ne, %convert_element_type3A_404, %cond3A_405 : i32
      scf.if %cond3A_406 {
        %sub3A_834 = arith.constant 5 : i32
        %sub3A_835 = arith.subi %add3A_399, %sub3A_834 : i32
        %mul3A_836 = arith.constant 2 : i32
        %mul3A_837 = arith.muli %mul3A_836, %sub3A_835 : i32
        %add3A_838 = arith.addi %mul3A_2, %mul3A_837 : i32
        %add3A_839 = arith.constant 0 : i32
        %add3A_840 = arith.addi %add3A_838, %add3A_839 : i32
        %dma_wait3A_841 = arith.constant 5 : i32
        %dma_wait3A_842 = arith.constant 0 : i32
        %dma_wait3A_843 = arith.constant 0 : i32
        %dma_wait3A_844 = tpu.memref_slice %arg6[%dma_wait3A_841, %dma_wait3A_842, %dma_wait3A_843] : memref<8x100x64xf32, #tpu.memory_space<vmem>> -> memref<1x50x64xf32, #tpu.memory_space<vmem>>
        %dma_wait3A_845 = tpu.memref_squeeze %dma_wait3A_844 : memref<1x50x64xf32, #tpu.memory_space<vmem>> -> memref<50x64xf32, #tpu.memory_space<vmem>>
        %dma_wait3A_846 = arith.constant 0 : i32
        %dma_wait3A_847 = arith.constant 0 : i32
        %dma_wait3A_848 = tpu.memref_slice %arg4[%add3A_840, %dma_wait3A_846, %dma_wait3A_847] : memref<4096x50x64xf32, #tpu.memory_space<hbm>> -> memref<1x50x64xf32, #tpu.memory_space<hbm>>
        %dma_wait3A_849 = tpu.memref_squeeze %dma_wait3A_848 : memref<1x50x64xf32, #tpu.memory_space<hbm>> -> memref<50x64xf32, #tpu.memory_space<hbm>>
        %dma_wait3A_850 = arith.constant 0 : i32
        %dma_wait3A_851 = arith.constant 0 : i32
        %dma_wait3A_852 = tpu.memref_slice %arg4[%add3A_840, %dma_wait3A_850, %dma_wait3A_851] : memref<4096x50x64xf32, #tpu.memory_space<hbm>> -> memref<1x50x64xf32, #tpu.memory_space<hbm>>
        %dma_wait3A_853 = tpu.memref_squeeze %dma_wait3A_852 : memref<1x50x64xf32, #tpu.memory_space<hbm>> -> memref<50x64xf32, #tpu.memory_space<hbm>>
        %dma_wait3A_854 = arith.constant 0 : i32
        %dma_wait3A_855 = arith.constant 0 : i32
        %dma_wait3A_856 = tpu.memref_slice %arg6[%dma_wait3A_841, %dma_wait3A_854, %dma_wait3A_855] : memref<8x100x64xf32, #tpu.memory_space<vmem>> -> memref<1x50x64xf32, #tpu.memory_space<vmem>>
        %dma_wait3A_857 = tpu.memref_squeeze %dma_wait3A_856 : memref<1x50x64xf32, #tpu.memory_space<vmem>> -> memref<50x64xf32, #tpu.memory_space<vmem>>
        tpu.wait_dma2 semaphore(%arg8 : memref<!tpu.dma_semaphore, #tpu.memory_space<semaphore_mem>>) src(%dma_wait3A_857 : memref<50x64xf32, #tpu.memory_space<vmem>>) dst(%dma_wait3A_853 : memref<50x64xf32, #tpu.memory_space<hbm>>)
        %sub3A_858 = arith.constant 5 : i32
        %sub3A_859 = arith.subi %add3A_399, %sub3A_858 : i32
        %mul3A_860 = arith.constant 2 : i32
        %mul3A_861 = arith.muli %mul3A_860, %sub3A_859 : i32
        %add3A_862 = arith.addi %mul3A_2, %mul3A_861 : i32
        %add3A_863 = arith.constant 1 : i32
        %add3A_864 = arith.addi %add3A_862, %add3A_863 : i32
        %dma_wait3A_865 = arith.constant 5 : i32
        %dma_wait3A_866 = arith.constant 50 : i32
        %dma_wait3A_867 = arith.constant 0 : i32
        %dma_wait3A_868 = tpu.memref_slice %arg6[%dma_wait3A_865, %dma_wait3A_866, %dma_wait3A_867] : memref<8x100x64xf32, #tpu.memory_space<vmem>> -> memref<1x50x64xf32, #tpu.memory_space<vmem>>
        %dma_wait3A_869 = tpu.memref_squeeze %dma_wait3A_868 : memref<1x50x64xf32, #tpu.memory_space<vmem>> -> memref<50x64xf32, #tpu.memory_space<vmem>>
        %dma_wait3A_870 = arith.constant 0 : i32
        %dma_wait3A_871 = arith.constant 0 : i32
        %dma_wait3A_872 = tpu.memref_slice %arg4[%add3A_864, %dma_wait3A_870, %dma_wait3A_871] : memref<4096x50x64xf32, #tpu.memory_space<hbm>> -> memref<1x50x64xf32, #tpu.memory_space<hbm>>
        %dma_wait3A_873 = tpu.memref_squeeze %dma_wait3A_872 : memref<1x50x64xf32, #tpu.memory_space<hbm>> -> memref<50x64xf32, #tpu.memory_space<hbm>>
        %dma_wait3A_874 = arith.constant 0 : i32
        %dma_wait3A_875 = arith.constant 0 : i32
        %dma_wait3A_876 = tpu.memref_slice %arg4[%add3A_864, %dma_wait3A_874, %dma_wait3A_875] : memref<4096x50x64xf32, #tpu.memory_space<hbm>> -> memref<1x50x64xf32, #tpu.memory_space<hbm>>
        %dma_wait3A_877 = tpu.memref_squeeze %dma_wait3A_876 : memref<1x50x64xf32, #tpu.memory_space<hbm>> -> memref<50x64xf32, #tpu.memory_space<hbm>>
        %dma_wait3A_878 = arith.constant 50 : i32
        %dma_wait3A_879 = arith.constant 0 : i32
        %dma_wait3A_880 = tpu.memref_slice %arg6[%dma_wait3A_865, %dma_wait3A_878, %dma_wait3A_879] : memref<8x100x64xf32, #tpu.memory_space<vmem>> -> memref<1x50x64xf32, #tpu.memory_space<vmem>>
        %dma_wait3A_881 = tpu.memref_squeeze %dma_wait3A_880 : memref<1x50x64xf32, #tpu.memory_space<vmem>> -> memref<50x64xf32, #tpu.memory_space<vmem>>
        tpu.wait_dma2 semaphore(%arg8 : memref<!tpu.dma_semaphore, #tpu.memory_space<semaphore_mem>>) src(%dma_wait3A_881 : memref<50x64xf32, #tpu.memory_space<vmem>>) dst(%dma_wait3A_877 : memref<50x64xf32, #tpu.memory_space<hbm>>)
      } else {
      }
      %add3A_407 = arith.constant 3 : i32
      %add3A_408 = arith.addi %add3A_399, %add3A_407 : i32
      %lt3A_409 = arith.constant 64 : i32
      %lt3A_410 = arith.cmpi slt, %add3A_408, %lt3A_409 : i32
      %convert_element_type3A_411 = arith.extui %lt3A_410 : i1 to i32
      %cond3A_412 = arith.constant 0 : i32
      %cond3A_413 = arith.cmpi ne, %convert_element_type3A_411, %cond3A_412 : i32
      scf.if %cond3A_413 {
        %add3A_834 = arith.constant 3 : i32
        %add3A_835 = arith.addi %add3A_399, %add3A_834 : i32
        %dma_start3A_836 = arith.constant 5 : i32
        %dma_start3A_837 = arith.constant 0 : i32
        %dma_start3A_838 = arith.constant 0 : i32
        %dma_start3A_839 = tpu.memref_slice %arg6[%dma_start3A_836, %dma_start3A_837, %dma_start3A_838] : memref<8x100x64xf32, #tpu.memory_space<vmem>> -> memref<1x100x64xf32, #tpu.memory_space<vmem>>
        %dma_start3A_840 = tpu.memref_squeeze %dma_start3A_839 : memref<1x100x64xf32, #tpu.memory_space<vmem>> -> memref<100x64xf32, #tpu.memory_space<vmem>>
        %dma_start3A_841 = arith.constant 0 : i32
        %dma_start3A_842 = tpu.memref_slice %arg5[%add3A_835, %dma_start3A_841] : memref<64x100xi32, #tpu.memory_space<vmem>> -> memref<1x100xi32, #tpu.memory_space<vmem>>
        %dma_start3A_843 = tpu.memref_squeeze %dma_start3A_842 : memref<1x100xi32, #tpu.memory_space<vmem>> -> memref<100xi32, #tpu.memory_space<vmem>>
        %dma_start3A_844 = arith.constant 0 : i32
        %dma_start3A_845 = arith.constant 0 : i32
        %dma_start3A_846 = tpu.memref_slice %arg3[%dma_start3A_844, %dma_start3A_845] : memref<100000x64xf32, #tpu.memory_space<hbm>> -> memref<100000x64xf32, #tpu.memory_space<hbm>>
        tpu.enqueue_indirect_dma source(%dma_start3A_846 : memref<100000x64xf32, #tpu.memory_space<hbm>>) target(%dma_start3A_840 : memref<100x64xf32, #tpu.memory_space<vmem>>) offsets(%dma_start3A_843 : memref<100xi32, #tpu.memory_space<vmem>>) semaphore(%arg7 : memref<!tpu.dma_semaphore, #tpu.memory_space<semaphore_mem>>)
      } else {
      }
      %dma_wait3A_414 = arith.constant 2 : i32
      %dma_wait3A_415 = arith.constant 0 : i32
      %dma_wait3A_416 = arith.constant 0 : i32
      %dma_wait3A_417 = tpu.memref_slice %arg6[%dma_wait3A_414, %dma_wait3A_415, %dma_wait3A_416] : memref<8x100x64xf32, #tpu.memory_space<vmem>> -> memref<1x100x64xf32, #tpu.memory_space<vmem>>
      %dma_wait3A_418 = tpu.memref_squeeze %dma_wait3A_417 : memref<1x100x64xf32, #tpu.memory_space<vmem>> -> memref<100x64xf32, #tpu.memory_space<vmem>>
      %dma_wait3A_419 = arith.constant 0 : i32
      %dma_wait3A_420 = tpu.memref_slice %arg5[%add3A_399, %dma_wait3A_419] : memref<64x100xi32, #tpu.memory_space<vmem>> -> memref<1x100xi32, #tpu.memory_space<vmem>>
      %dma_wait3A_421 = tpu.memref_squeeze %dma_wait3A_420 : memref<1x100xi32, #tpu.memory_space<vmem>> -> memref<100xi32, #tpu.memory_space<vmem>>
      %dma_wait3A_422 = arith.constant 0 : i32
      %dma_wait3A_423 = arith.constant 0 : i32
      %dma_wait3A_424 = tpu.memref_slice %arg3[%dma_wait3A_422, %dma_wait3A_423] : memref<100000x64xf32, #tpu.memory_space<hbm>> -> memref<100000x64xf32, #tpu.memory_space<hbm>>
      tpu.wait_indirect_dma semaphore(%arg7 : memref<!tpu.dma_semaphore, #tpu.memory_space<semaphore_mem>>) src(%dma_wait3A_424 : memref<100000x64xf32, #tpu.memory_space<hbm>>) dst(%dma_wait3A_418 : memref<100x64xf32, #tpu.memory_space<vmem>>)
      %mul3A_425 = arith.constant 2 : i32
      %mul3A_426 = arith.muli %mul3A_425, %add3A_399 : i32
      %add3A_427 = arith.addi %mul3A_2, %mul3A_426 : i32
      %add3A_428 = arith.constant 0 : i32
      %add3A_429 = arith.addi %add3A_427, %add3A_428 : i32
      %dma_start3A_430 = arith.constant 2 : i32
      %dma_start3A_431 = arith.constant 0 : i32
      %dma_start3A_432 = arith.constant 0 : i32
      %dma_start3A_433 = tpu.memref_slice %arg6[%dma_start3A_430, %dma_start3A_431, %dma_start3A_432] : memref<8x100x64xf32, #tpu.memory_space<vmem>> -> memref<1x50x64xf32, #tpu.memory_space<vmem>>
      %dma_start3A_434 = tpu.memref_squeeze %dma_start3A_433 : memref<1x50x64xf32, #tpu.memory_space<vmem>> -> memref<50x64xf32, #tpu.memory_space<vmem>>
      %dma_start3A_435 = arith.constant 0 : i32
      %dma_start3A_436 = arith.constant 0 : i32
      %dma_start3A_437 = tpu.memref_slice %arg4[%add3A_429, %dma_start3A_435, %dma_start3A_436] : memref<4096x50x64xf32, #tpu.memory_space<hbm>> -> memref<1x50x64xf32, #tpu.memory_space<hbm>>
      %dma_start3A_438 = tpu.memref_squeeze %dma_start3A_437 : memref<1x50x64xf32, #tpu.memory_space<hbm>> -> memref<50x64xf32, #tpu.memory_space<hbm>>
      %dma_start3A_439 = arith.constant 0 : i32
      %dma_start3A_440 = arith.constant 0 : i32
      %dma_start3A_441 = tpu.memref_slice %arg4[%add3A_429, %dma_start3A_439, %dma_start3A_440] : memref<4096x50x64xf32, #tpu.memory_space<hbm>> -> memref<1x50x64xf32, #tpu.memory_space<hbm>>
      %dma_start3A_442 = tpu.memref_squeeze %dma_start3A_441 : memref<1x50x64xf32, #tpu.memory_space<hbm>> -> memref<50x64xf32, #tpu.memory_space<hbm>>
      %dma_start3A_443 = arith.constant 0 : i32
      %dma_start3A_444 = arith.constant 0 : i32
      %dma_start3A_445 = tpu.memref_slice %arg6[%dma_start3A_430, %dma_start3A_443, %dma_start3A_444] : memref<8x100x64xf32, #tpu.memory_space<vmem>> -> memref<1x50x64xf32, #tpu.memory_space<vmem>>
      %dma_start3A_446 = tpu.memref_squeeze %dma_start3A_445 : memref<1x50x64xf32, #tpu.memory_space<vmem>> -> memref<50x64xf32, #tpu.memory_space<vmem>>
      tpu.enqueue_dma source(%dma_start3A_446 : memref<50x64xf32, #tpu.memory_space<vmem>>) target(%dma_start3A_442 : memref<50x64xf32, #tpu.memory_space<hbm>>) target_semaphore(%arg8 : memref<!tpu.dma_semaphore, #tpu.memory_space<semaphore_mem>>)
      %mul3A_447 = arith.constant 2 : i32
      %mul3A_448 = arith.muli %mul3A_447, %add3A_399 : i32
      %add3A_449 = arith.addi %mul3A_2, %mul3A_448 : i32
      %add3A_450 = arith.constant 1 : i32
      %add3A_451 = arith.addi %add3A_449, %add3A_450 : i32
      %dma_start3A_452 = arith.constant 2 : i32
      %dma_start3A_453 = arith.constant 50 : i32
      %dma_start3A_454 = arith.constant 0 : i32
      %dma_start3A_455 = tpu.memref_slice %arg6[%dma_start3A_452, %dma_start3A_453, %dma_start3A_454] : memref<8x100x64xf32, #tpu.memory_space<vmem>> -> memref<1x50x64xf32, #tpu.memory_space<vmem>>
      %dma_start3A_456 = tpu.memref_squeeze %dma_start3A_455 : memref<1x50x64xf32, #tpu.memory_space<vmem>> -> memref<50x64xf32, #tpu.memory_space<vmem>>
      %dma_start3A_457 = arith.constant 0 : i32
      %dma_start3A_458 = arith.constant 0 : i32
      %dma_start3A_459 = tpu.memref_slice %arg4[%add3A_451, %dma_start3A_457, %dma_start3A_458] : memref<4096x50x64xf32, #tpu.memory_space<hbm>> -> memref<1x50x64xf32, #tpu.memory_space<hbm>>
      %dma_start3A_460 = tpu.memref_squeeze %dma_start3A_459 : memref<1x50x64xf32, #tpu.memory_space<hbm>> -> memref<50x64xf32, #tpu.memory_space<hbm>>
      %dma_start3A_461 = arith.constant 0 : i32
      %dma_start3A_462 = arith.constant 0 : i32
      %dma_start3A_463 = tpu.memref_slice %arg4[%add3A_451, %dma_start3A_461, %dma_start3A_462] : memref<4096x50x64xf32, #tpu.memory_space<hbm>> -> memref<1x50x64xf32, #tpu.memory_space<hbm>>
      %dma_start3A_464 = tpu.memref_squeeze %dma_start3A_463 : memref<1x50x64xf32, #tpu.memory_space<hbm>> -> memref<50x64xf32, #tpu.memory_space<hbm>>
      %dma_start3A_465 = arith.constant 50 : i32
      %dma_start3A_466 = arith.constant 0 : i32
      %dma_start3A_467 = tpu.memref_slice %arg6[%dma_start3A_452, %dma_start3A_465, %dma_start3A_466] : memref<8x100x64xf32, #tpu.memory_space<vmem>> -> memref<1x50x64xf32, #tpu.memory_space<vmem>>
      %dma_start3A_468 = tpu.memref_squeeze %dma_start3A_467 : memref<1x50x64xf32, #tpu.memory_space<vmem>> -> memref<50x64xf32, #tpu.memory_space<vmem>>
      tpu.enqueue_dma source(%dma_start3A_468 : memref<50x64xf32, #tpu.memory_space<vmem>>) target(%dma_start3A_464 : memref<50x64xf32, #tpu.memory_space<hbm>>) target_semaphore(%arg8 : memref<!tpu.dma_semaphore, #tpu.memory_space<semaphore_mem>>)
      %mul3A_469 = arith.constant 8 : i32
      %mul3A_470 = arith.muli %mul3A_469, %scan3A_254 : i32
      %add3A_471 = arith.constant 3 : i32
      %add3A_472 = arith.addi %mul3A_470, %add3A_471 : i32
      %sub3A_473 = arith.constant 5 : i32
      %sub3A_474 = arith.subi %add3A_472, %sub3A_473 : i32
      %ge3A_475 = arith.constant 0 : i32
      %ge3A_476 = arith.cmpi sge, %sub3A_474, %ge3A_475 : i32
      %convert_element_type3A_477 = arith.extui %ge3A_476 : i1 to i32
      %cond3A_478 = arith.constant 0 : i32
      %cond3A_479 = arith.cmpi ne, %convert_element_type3A_477, %cond3A_478 : i32
      scf.if %cond3A_479 {
        %sub3A_834 = arith.constant 5 : i32
        %sub3A_835 = arith.subi %add3A_472, %sub3A_834 : i32
        %mul3A_836 = arith.constant 2 : i32
        %mul3A_837 = arith.muli %mul3A_836, %sub3A_835 : i32
        %add3A_838 = arith.addi %mul3A_2, %mul3A_837 : i32
        %add3A_839 = arith.constant 0 : i32
        %add3A_840 = arith.addi %add3A_838, %add3A_839 : i32
        %dma_wait3A_841 = arith.constant 6 : i32
        %dma_wait3A_842 = arith.constant 0 : i32
        %dma_wait3A_843 = arith.constant 0 : i32
        %dma_wait3A_844 = tpu.memref_slice %arg6[%dma_wait3A_841, %dma_wait3A_842, %dma_wait3A_843] : memref<8x100x64xf32, #tpu.memory_space<vmem>> -> memref<1x50x64xf32, #tpu.memory_space<vmem>>
        %dma_wait3A_845 = tpu.memref_squeeze %dma_wait3A_844 : memref<1x50x64xf32, #tpu.memory_space<vmem>> -> memref<50x64xf32, #tpu.memory_space<vmem>>
        %dma_wait3A_846 = arith.constant 0 : i32
        %dma_wait3A_847 = arith.constant 0 : i32
        %dma_wait3A_848 = tpu.memref_slice %arg4[%add3A_840, %dma_wait3A_846, %dma_wait3A_847] : memref<4096x50x64xf32, #tpu.memory_space<hbm>> -> memref<1x50x64xf32, #tpu.memory_space<hbm>>
        %dma_wait3A_849 = tpu.memref_squeeze %dma_wait3A_848 : memref<1x50x64xf32, #tpu.memory_space<hbm>> -> memref<50x64xf32, #tpu.memory_space<hbm>>
        %dma_wait3A_850 = arith.constant 0 : i32
        %dma_wait3A_851 = arith.constant 0 : i32
        %dma_wait3A_852 = tpu.memref_slice %arg4[%add3A_840, %dma_wait3A_850, %dma_wait3A_851] : memref<4096x50x64xf32, #tpu.memory_space<hbm>> -> memref<1x50x64xf32, #tpu.memory_space<hbm>>
        %dma_wait3A_853 = tpu.memref_squeeze %dma_wait3A_852 : memref<1x50x64xf32, #tpu.memory_space<hbm>> -> memref<50x64xf32, #tpu.memory_space<hbm>>
        %dma_wait3A_854 = arith.constant 0 : i32
        %dma_wait3A_855 = arith.constant 0 : i32
        %dma_wait3A_856 = tpu.memref_slice %arg6[%dma_wait3A_841, %dma_wait3A_854, %dma_wait3A_855] : memref<8x100x64xf32, #tpu.memory_space<vmem>> -> memref<1x50x64xf32, #tpu.memory_space<vmem>>
        %dma_wait3A_857 = tpu.memref_squeeze %dma_wait3A_856 : memref<1x50x64xf32, #tpu.memory_space<vmem>> -> memref<50x64xf32, #tpu.memory_space<vmem>>
        tpu.wait_dma2 semaphore(%arg8 : memref<!tpu.dma_semaphore, #tpu.memory_space<semaphore_mem>>) src(%dma_wait3A_857 : memref<50x64xf32, #tpu.memory_space<vmem>>) dst(%dma_wait3A_853 : memref<50x64xf32, #tpu.memory_space<hbm>>)
        %sub3A_858 = arith.constant 5 : i32
        %sub3A_859 = arith.subi %add3A_472, %sub3A_858 : i32
        %mul3A_860 = arith.constant 2 : i32
        %mul3A_861 = arith.muli %mul3A_860, %sub3A_859 : i32
        %add3A_862 = arith.addi %mul3A_2, %mul3A_861 : i32
        %add3A_863 = arith.constant 1 : i32
        %add3A_864 = arith.addi %add3A_862, %add3A_863 : i32
        %dma_wait3A_865 = arith.constant 6 : i32
        %dma_wait3A_866 = arith.constant 50 : i32
        %dma_wait3A_867 = arith.constant 0 : i32
        %dma_wait3A_868 = tpu.memref_slice %arg6[%dma_wait3A_865, %dma_wait3A_866, %dma_wait3A_867] : memref<8x100x64xf32, #tpu.memory_space<vmem>> -> memref<1x50x64xf32, #tpu.memory_space<vmem>>
        %dma_wait3A_869 = tpu.memref_squeeze %dma_wait3A_868 : memref<1x50x64xf32, #tpu.memory_space<vmem>> -> memref<50x64xf32, #tpu.memory_space<vmem>>
        %dma_wait3A_870 = arith.constant 0 : i32
        %dma_wait3A_871 = arith.constant 0 : i32
        %dma_wait3A_872 = tpu.memref_slice %arg4[%add3A_864, %dma_wait3A_870, %dma_wait3A_871] : memref<4096x50x64xf32, #tpu.memory_space<hbm>> -> memref<1x50x64xf32, #tpu.memory_space<hbm>>
        %dma_wait3A_873 = tpu.memref_squeeze %dma_wait3A_872 : memref<1x50x64xf32, #tpu.memory_space<hbm>> -> memref<50x64xf32, #tpu.memory_space<hbm>>
        %dma_wait3A_874 = arith.constant 0 : i32
        %dma_wait3A_875 = arith.constant 0 : i32
        %dma_wait3A_876 = tpu.memref_slice %arg4[%add3A_864, %dma_wait3A_874, %dma_wait3A_875] : memref<4096x50x64xf32, #tpu.memory_space<hbm>> -> memref<1x50x64xf32, #tpu.memory_space<hbm>>
        %dma_wait3A_877 = tpu.memref_squeeze %dma_wait3A_876 : memref<1x50x64xf32, #tpu.memory_space<hbm>> -> memref<50x64xf32, #tpu.memory_space<hbm>>
        %dma_wait3A_878 = arith.constant 50 : i32
        %dma_wait3A_879 = arith.constant 0 : i32
        %dma_wait3A_880 = tpu.memref_slice %arg6[%dma_wait3A_865, %dma_wait3A_878, %dma_wait3A_879] : memref<8x100x64xf32, #tpu.memory_space<vmem>> -> memref<1x50x64xf32, #tpu.memory_space<vmem>>
        %dma_wait3A_881 = tpu.memref_squeeze %dma_wait3A_880 : memref<1x50x64xf32, #tpu.memory_space<vmem>> -> memref<50x64xf32, #tpu.memory_space<vmem>>
        tpu.wait_dma2 semaphore(%arg8 : memref<!tpu.dma_semaphore, #tpu.memory_space<semaphore_mem>>) src(%dma_wait3A_881 : memref<50x64xf32, #tpu.memory_space<vmem>>) dst(%dma_wait3A_877 : memref<50x64xf32, #tpu.memory_space<hbm>>)
      } else {
      }
      %add3A_480 = arith.constant 3 : i32
      %add3A_481 = arith.addi %add3A_472, %add3A_480 : i32
      %lt3A_482 = arith.constant 64 : i32
      %lt3A_483 = arith.cmpi slt, %add3A_481, %lt3A_482 : i32
      %convert_element_type3A_484 = arith.extui %lt3A_483 : i1 to i32
      %cond3A_485 = arith.constant 0 : i32
      %cond3A_486 = arith.cmpi ne, %convert_element_type3A_484, %cond3A_485 : i32
      scf.if %cond3A_486 {
        %add3A_834 = arith.constant 3 : i32
        %add3A_835 = arith.addi %add3A_472, %add3A_834 : i32
        %dma_start3A_836 = arith.constant 6 : i32
        %dma_start3A_837 = arith.constant 0 : i32
        %dma_start3A_838 = arith.constant 0 : i32
        %dma_start3A_839 = tpu.memref_slice %arg6[%dma_start3A_836, %dma_start3A_837, %dma_start3A_838] : memref<8x100x64xf32, #tpu.memory_space<vmem>> -> memref<1x100x64xf32, #tpu.memory_space<vmem>>
        %dma_start3A_840 = tpu.memref_squeeze %dma_start3A_839 : memref<1x100x64xf32, #tpu.memory_space<vmem>> -> memref<100x64xf32, #tpu.memory_space<vmem>>
        %dma_start3A_841 = arith.constant 0 : i32
        %dma_start3A_842 = tpu.memref_slice %arg5[%add3A_835, %dma_start3A_841] : memref<64x100xi32, #tpu.memory_space<vmem>> -> memref<1x100xi32, #tpu.memory_space<vmem>>
        %dma_start3A_843 = tpu.memref_squeeze %dma_start3A_842 : memref<1x100xi32, #tpu.memory_space<vmem>> -> memref<100xi32, #tpu.memory_space<vmem>>
        %dma_start3A_844 = arith.constant 0 : i32
        %dma_start3A_845 = arith.constant 0 : i32
        %dma_start3A_846 = tpu.memref_slice %arg3[%dma_start3A_844, %dma_start3A_845] : memref<100000x64xf32, #tpu.memory_space<hbm>> -> memref<100000x64xf32, #tpu.memory_space<hbm>>
        tpu.enqueue_indirect_dma source(%dma_start3A_846 : memref<100000x64xf32, #tpu.memory_space<hbm>>) target(%dma_start3A_840 : memref<100x64xf32, #tpu.memory_space<vmem>>) offsets(%dma_start3A_843 : memref<100xi32, #tpu.memory_space<vmem>>) semaphore(%arg7 : memref<!tpu.dma_semaphore, #tpu.memory_space<semaphore_mem>>)
      } else {
      }
      %dma_wait3A_487 = arith.constant 3 : i32
      %dma_wait3A_488 = arith.constant 0 : i32
      %dma_wait3A_489 = arith.constant 0 : i32
      %dma_wait3A_490 = tpu.memref_slice %arg6[%dma_wait3A_487, %dma_wait3A_488, %dma_wait3A_489] : memref<8x100x64xf32, #tpu.memory_space<vmem>> -> memref<1x100x64xf32, #tpu.memory_space<vmem>>
      %dma_wait3A_491 = tpu.memref_squeeze %dma_wait3A_490 : memref<1x100x64xf32, #tpu.memory_space<vmem>> -> memref<100x64xf32, #tpu.memory_space<vmem>>
      %dma_wait3A_492 = arith.constant 0 : i32
      %dma_wait3A_493 = tpu.memref_slice %arg5[%add3A_472, %dma_wait3A_492] : memref<64x100xi32, #tpu.memory_space<vmem>> -> memref<1x100xi32, #tpu.memory_space<vmem>>
      %dma_wait3A_494 = tpu.memref_squeeze %dma_wait3A_493 : memref<1x100xi32, #tpu.memory_space<vmem>> -> memref<100xi32, #tpu.memory_space<vmem>>
      %dma_wait3A_495 = arith.constant 0 : i32
      %dma_wait3A_496 = arith.constant 0 : i32
      %dma_wait3A_497 = tpu.memref_slice %arg3[%dma_wait3A_495, %dma_wait3A_496] : memref<100000x64xf32, #tpu.memory_space<hbm>> -> memref<100000x64xf32, #tpu.memory_space<hbm>>
      tpu.wait_indirect_dma semaphore(%arg7 : memref<!tpu.dma_semaphore, #tpu.memory_space<semaphore_mem>>) src(%dma_wait3A_497 : memref<100000x64xf32, #tpu.memory_space<hbm>>) dst(%dma_wait3A_491 : memref<100x64xf32, #tpu.memory_space<vmem>>)
      %mul3A_498 = arith.constant 2 : i32
      %mul3A_499 = arith.muli %mul3A_498, %add3A_472 : i32
      %add3A_500 = arith.addi %mul3A_2, %mul3A_499 : i32
      %add3A_501 = arith.constant 0 : i32
      %add3A_502 = arith.addi %add3A_500, %add3A_501 : i32
      %dma_start3A_503 = arith.constant 3 : i32
      %dma_start3A_504 = arith.constant 0 : i32
      %dma_start3A_505 = arith.constant 0 : i32
      %dma_start3A_506 = tpu.memref_slice %arg6[%dma_start3A_503, %dma_start3A_504, %dma_start3A_505] : memref<8x100x64xf32, #tpu.memory_space<vmem>> -> memref<1x50x64xf32, #tpu.memory_space<vmem>>
      %dma_start3A_507 = tpu.memref_squeeze %dma_start3A_506 : memref<1x50x64xf32, #tpu.memory_space<vmem>> -> memref<50x64xf32, #tpu.memory_space<vmem>>
      %dma_start3A_508 = arith.constant 0 : i32
      %dma_start3A_509 = arith.constant 0 : i32
      %dma_start3A_510 = tpu.memref_slice %arg4[%add3A_502, %dma_start3A_508, %dma_start3A_509] : memref<4096x50x64xf32, #tpu.memory_space<hbm>> -> memref<1x50x64xf32, #tpu.memory_space<hbm>>
      %dma_start3A_511 = tpu.memref_squeeze %dma_start3A_510 : memref<1x50x64xf32, #tpu.memory_space<hbm>> -> memref<50x64xf32, #tpu.memory_space<hbm>>
      %dma_start3A_512 = arith.constant 0 : i32
      %dma_start3A_513 = arith.constant 0 : i32
      %dma_start3A_514 = tpu.memref_slice %arg4[%add3A_502, %dma_start3A_512, %dma_start3A_513] : memref<4096x50x64xf32, #tpu.memory_space<hbm>> -> memref<1x50x64xf32, #tpu.memory_space<hbm>>
      %dma_start3A_515 = tpu.memref_squeeze %dma_start3A_514 : memref<1x50x64xf32, #tpu.memory_space<hbm>> -> memref<50x64xf32, #tpu.memory_space<hbm>>
      %dma_start3A_516 = arith.constant 0 : i32
      %dma_start3A_517 = arith.constant 0 : i32
      %dma_start3A_518 = tpu.memref_slice %arg6[%dma_start3A_503, %dma_start3A_516, %dma_start3A_517] : memref<8x100x64xf32, #tpu.memory_space<vmem>> -> memref<1x50x64xf32, #tpu.memory_space<vmem>>
      %dma_start3A_519 = tpu.memref_squeeze %dma_start3A_518 : memref<1x50x64xf32, #tpu.memory_space<vmem>> -> memref<50x64xf32, #tpu.memory_space<vmem>>
      tpu.enqueue_dma source(%dma_start3A_519 : memref<50x64xf32, #tpu.memory_space<vmem>>) target(%dma_start3A_515 : memref<50x64xf32, #tpu.memory_space<hbm>>) target_semaphore(%arg8 : memref<!tpu.dma_semaphore, #tpu.memory_space<semaphore_mem>>)
      %mul3A_520 = arith.constant 2 : i32
      %mul3A_521 = arith.muli %mul3A_520, %add3A_472 : i32
      %add3A_522 = arith.addi %mul3A_2, %mul3A_521 : i32
      %add3A_523 = arith.constant 1 : i32
      %add3A_524 = arith.addi %add3A_522, %add3A_523 : i32
      %dma_start3A_525 = arith.constant 3 : i32
      %dma_start3A_526 = arith.constant 50 : i32
      %dma_start3A_527 = arith.constant 0 : i32
      %dma_start3A_528 = tpu.memref_slice %arg6[%dma_start3A_525, %dma_start3A_526, %dma_start3A_527] : memref<8x100x64xf32, #tpu.memory_space<vmem>> -> memref<1x50x64xf32, #tpu.memory_space<vmem>>
      %dma_start3A_529 = tpu.memref_squeeze %dma_start3A_528 : memref<1x50x64xf32, #tpu.memory_space<vmem>> -> memref<50x64xf32, #tpu.memory_space<vmem>>
      %dma_start3A_530 = arith.constant 0 : i32
      %dma_start3A_531 = arith.constant 0 : i32
      %dma_start3A_532 = tpu.memref_slice %arg4[%add3A_524, %dma_start3A_530, %dma_start3A_531] : memref<4096x50x64xf32, #tpu.memory_space<hbm>> -> memref<1x50x64xf32, #tpu.memory_space<hbm>>
      %dma_start3A_533 = tpu.memref_squeeze %dma_start3A_532 : memref<1x50x64xf32, #tpu.memory_space<hbm>> -> memref<50x64xf32, #tpu.memory_space<hbm>>
      %dma_start3A_534 = arith.constant 0 : i32
      %dma_start3A_535 = arith.constant 0 : i32
      %dma_start3A_536 = tpu.memref_slice %arg4[%add3A_524, %dma_start3A_534, %dma_start3A_535] : memref<4096x50x64xf32, #tpu.memory_space<hbm>> -> memref<1x50x64xf32, #tpu.memory_space<hbm>>
      %dma_start3A_537 = tpu.memref_squeeze %dma_start3A_536 : memref<1x50x64xf32, #tpu.memory_space<hbm>> -> memref<50x64xf32, #tpu.memory_space<hbm>>
      %dma_start3A_538 = arith.constant 50 : i32
      %dma_start3A_539 = arith.constant 0 : i32
      %dma_start3A_540 = tpu.memref_slice %arg6[%dma_start3A_525, %dma_start3A_538, %dma_start3A_539] : memref<8x100x64xf32, #tpu.memory_space<vmem>> -> memref<1x50x64xf32, #tpu.memory_space<vmem>>
      %dma_start3A_541 = tpu.memref_squeeze %dma_start3A_540 : memref<1x50x64xf32, #tpu.memory_space<vmem>> -> memref<50x64xf32, #tpu.memory_space<vmem>>
      tpu.enqueue_dma source(%dma_start3A_541 : memref<50x64xf32, #tpu.memory_space<vmem>>) target(%dma_start3A_537 : memref<50x64xf32, #tpu.memory_space<hbm>>) target_semaphore(%arg8 : memref<!tpu.dma_semaphore, #tpu.memory_space<semaphore_mem>>)
      %mul3A_542 = arith.constant 8 : i32
      %mul3A_543 = arith.muli %mul3A_542, %scan3A_254 : i32
      %add3A_544 = arith.constant 4 : i32
      %add3A_545 = arith.addi %mul3A_543, %add3A_544 : i32
      %sub3A_546 = arith.constant 5 : i32
      %sub3A_547 = arith.subi %add3A_545, %sub3A_546 : i32
      %ge3A_548 = arith.constant 0 : i32
      %ge3A_549 = arith.cmpi sge, %sub3A_547, %ge3A_548 : i32
      %convert_element_type3A_550 = arith.extui %ge3A_549 : i1 to i32
      %cond3A_551 = arith.constant 0 : i32
      %cond3A_552 = arith.cmpi ne, %convert_element_type3A_550, %cond3A_551 : i32
      scf.if %cond3A_552 {
        %sub3A_834 = arith.constant 5 : i32
        %sub3A_835 = arith.subi %add3A_545, %sub3A_834 : i32
        %mul3A_836 = arith.constant 2 : i32
        %mul3A_837 = arith.muli %mul3A_836, %sub3A_835 : i32
        %add3A_838 = arith.addi %mul3A_2, %mul3A_837 : i32
        %add3A_839 = arith.constant 0 : i32
        %add3A_840 = arith.addi %add3A_838, %add3A_839 : i32
        %dma_wait3A_841 = arith.constant 7 : i32
        %dma_wait3A_842 = arith.constant 0 : i32
        %dma_wait3A_843 = arith.constant 0 : i32
        %dma_wait3A_844 = tpu.memref_slice %arg6[%dma_wait3A_841, %dma_wait3A_842, %dma_wait3A_843] : memref<8x100x64xf32, #tpu.memory_space<vmem>> -> memref<1x50x64xf32, #tpu.memory_space<vmem>>
        %dma_wait3A_845 = tpu.memref_squeeze %dma_wait3A_844 : memref<1x50x64xf32, #tpu.memory_space<vmem>> -> memref<50x64xf32, #tpu.memory_space<vmem>>
        %dma_wait3A_846 = arith.constant 0 : i32
        %dma_wait3A_847 = arith.constant 0 : i32
        %dma_wait3A_848 = tpu.memref_slice %arg4[%add3A_840, %dma_wait3A_846, %dma_wait3A_847] : memref<4096x50x64xf32, #tpu.memory_space<hbm>> -> memref<1x50x64xf32, #tpu.memory_space<hbm>>
        %dma_wait3A_849 = tpu.memref_squeeze %dma_wait3A_848 : memref<1x50x64xf32, #tpu.memory_space<hbm>> -> memref<50x64xf32, #tpu.memory_space<hbm>>
        %dma_wait3A_850 = arith.constant 0 : i32
        %dma_wait3A_851 = arith.constant 0 : i32
        %dma_wait3A_852 = tpu.memref_slice %arg4[%add3A_840, %dma_wait3A_850, %dma_wait3A_851] : memref<4096x50x64xf32, #tpu.memory_space<hbm>> -> memref<1x50x64xf32, #tpu.memory_space<hbm>>
        %dma_wait3A_853 = tpu.memref_squeeze %dma_wait3A_852 : memref<1x50x64xf32, #tpu.memory_space<hbm>> -> memref<50x64xf32, #tpu.memory_space<hbm>>
        %dma_wait3A_854 = arith.constant 0 : i32
        %dma_wait3A_855 = arith.constant 0 : i32
        %dma_wait3A_856 = tpu.memref_slice %arg6[%dma_wait3A_841, %dma_wait3A_854, %dma_wait3A_855] : memref<8x100x64xf32, #tpu.memory_space<vmem>> -> memref<1x50x64xf32, #tpu.memory_space<vmem>>
        %dma_wait3A_857 = tpu.memref_squeeze %dma_wait3A_856 : memref<1x50x64xf32, #tpu.memory_space<vmem>> -> memref<50x64xf32, #tpu.memory_space<vmem>>
        tpu.wait_dma2 semaphore(%arg8 : memref<!tpu.dma_semaphore, #tpu.memory_space<semaphore_mem>>) src(%dma_wait3A_857 : memref<50x64xf32, #tpu.memory_space<vmem>>) dst(%dma_wait3A_853 : memref<50x64xf32, #tpu.memory_space<hbm>>)
        %sub3A_858 = arith.constant 5 : i32
        %sub3A_859 = arith.subi %add3A_545, %sub3A_858 : i32
        %mul3A_860 = arith.constant 2 : i32
        %mul3A_861 = arith.muli %mul3A_860, %sub3A_859 : i32
        %add3A_862 = arith.addi %mul3A_2, %mul3A_861 : i32
        %add3A_863 = arith.constant 1 : i32
        %add3A_864 = arith.addi %add3A_862, %add3A_863 : i32
        %dma_wait3A_865 = arith.constant 7 : i32
        %dma_wait3A_866 = arith.constant 50 : i32
        %dma_wait3A_867 = arith.constant 0 : i32
        %dma_wait3A_868 = tpu.memref_slice %arg6[%dma_wait3A_865, %dma_wait3A_866, %dma_wait3A_867] : memref<8x100x64xf32, #tpu.memory_space<vmem>> -> memref<1x50x64xf32, #tpu.memory_space<vmem>>
        %dma_wait3A_869 = tpu.memref_squeeze %dma_wait3A_868 : memref<1x50x64xf32, #tpu.memory_space<vmem>> -> memref<50x64xf32, #tpu.memory_space<vmem>>
        %dma_wait3A_870 = arith.constant 0 : i32
        %dma_wait3A_871 = arith.constant 0 : i32
        %dma_wait3A_872 = tpu.memref_slice %arg4[%add3A_864, %dma_wait3A_870, %dma_wait3A_871] : memref<4096x50x64xf32, #tpu.memory_space<hbm>> -> memref<1x50x64xf32, #tpu.memory_space<hbm>>
        %dma_wait3A_873 = tpu.memref_squeeze %dma_wait3A_872 : memref<1x50x64xf32, #tpu.memory_space<hbm>> -> memref<50x64xf32, #tpu.memory_space<hbm>>
        %dma_wait3A_874 = arith.constant 0 : i32
        %dma_wait3A_875 = arith.constant 0 : i32
        %dma_wait3A_876 = tpu.memref_slice %arg4[%add3A_864, %dma_wait3A_874, %dma_wait3A_875] : memref<4096x50x64xf32, #tpu.memory_space<hbm>> -> memref<1x50x64xf32, #tpu.memory_space<hbm>>
        %dma_wait3A_877 = tpu.memref_squeeze %dma_wait3A_876 : memref<1x50x64xf32, #tpu.memory_space<hbm>> -> memref<50x64xf32, #tpu.memory_space<hbm>>
        %dma_wait3A_878 = arith.constant 50 : i32
        %dma_wait3A_879 = arith.constant 0 : i32
        %dma_wait3A_880 = tpu.memref_slice %arg6[%dma_wait3A_865, %dma_wait3A_878, %dma_wait3A_879] : memref<8x100x64xf32, #tpu.memory_space<vmem>> -> memref<1x50x64xf32, #tpu.memory_space<vmem>>
        %dma_wait3A_881 = tpu.memref_squeeze %dma_wait3A_880 : memref<1x50x64xf32, #tpu.memory_space<vmem>> -> memref<50x64xf32, #tpu.memory_space<vmem>>
        tpu.wait_dma2 semaphore(%arg8 : memref<!tpu.dma_semaphore, #tpu.memory_space<semaphore_mem>>) src(%dma_wait3A_881 : memref<50x64xf32, #tpu.memory_space<vmem>>) dst(%dma_wait3A_877 : memref<50x64xf32, #tpu.memory_space<hbm>>)
      } else {
      }
      %add3A_553 = arith.constant 3 : i32
      %add3A_554 = arith.addi %add3A_545, %add3A_553 : i32
      %lt3A_555 = arith.constant 64 : i32
      %lt3A_556 = arith.cmpi slt, %add3A_554, %lt3A_555 : i32
      %convert_element_type3A_557 = arith.extui %lt3A_556 : i1 to i32
      %cond3A_558 = arith.constant 0 : i32
      %cond3A_559 = arith.cmpi ne, %convert_element_type3A_557, %cond3A_558 : i32
      scf.if %cond3A_559 {
        %add3A_834 = arith.constant 3 : i32
        %add3A_835 = arith.addi %add3A_545, %add3A_834 : i32
        %dma_start3A_836 = arith.constant 7 : i32
        %dma_start3A_837 = arith.constant 0 : i32
        %dma_start3A_838 = arith.constant 0 : i32
        %dma_start3A_839 = tpu.memref_slice %arg6[%dma_start3A_836, %dma_start3A_837, %dma_start3A_838] : memref<8x100x64xf32, #tpu.memory_space<vmem>> -> memref<1x100x64xf32, #tpu.memory_space<vmem>>
        %dma_start3A_840 = tpu.memref_squeeze %dma_start3A_839 : memref<1x100x64xf32, #tpu.memory_space<vmem>> -> memref<100x64xf32, #tpu.memory_space<vmem>>
        %dma_start3A_841 = arith.constant 0 : i32
        %dma_start3A_842 = tpu.memref_slice %arg5[%add3A_835, %dma_start3A_841] : memref<64x100xi32, #tpu.memory_space<vmem>> -> memref<1x100xi32, #tpu.memory_space<vmem>>
        %dma_start3A_843 = tpu.memref_squeeze %dma_start3A_842 : memref<1x100xi32, #tpu.memory_space<vmem>> -> memref<100xi32, #tpu.memory_space<vmem>>
        %dma_start3A_844 = arith.constant 0 : i32
        %dma_start3A_845 = arith.constant 0 : i32
        %dma_start3A_846 = tpu.memref_slice %arg3[%dma_start3A_844, %dma_start3A_845] : memref<100000x64xf32, #tpu.memory_space<hbm>> -> memref<100000x64xf32, #tpu.memory_space<hbm>>
        tpu.enqueue_indirect_dma source(%dma_start3A_846 : memref<100000x64xf32, #tpu.memory_space<hbm>>) target(%dma_start3A_840 : memref<100x64xf32, #tpu.memory_space<vmem>>) offsets(%dma_start3A_843 : memref<100xi32, #tpu.memory_space<vmem>>) semaphore(%arg7 : memref<!tpu.dma_semaphore, #tpu.memory_space<semaphore_mem>>)
      } else {
      }
      %dma_wait3A_560 = arith.constant 4 : i32
      %dma_wait3A_561 = arith.constant 0 : i32
      %dma_wait3A_562 = arith.constant 0 : i32
      %dma_wait3A_563 = tpu.memref_slice %arg6[%dma_wait3A_560, %dma_wait3A_561, %dma_wait3A_562] : memref<8x100x64xf32, #tpu.memory_space<vmem>> -> memref<1x100x64xf32, #tpu.memory_space<vmem>>
      %dma_wait3A_564 = tpu.memref_squeeze %dma_wait3A_563 : memref<1x100x64xf32, #tpu.memory_space<vmem>> -> memref<100x64xf32, #tpu.memory_space<vmem>>
      %dma_wait3A_565 = arith.constant 0 : i32
      %dma_wait3A_566 = tpu.memref_slice %arg5[%add3A_545, %dma_wait3A_565] : memref<64x100xi32, #tpu.memory_space<vmem>> -> memref<1x100xi32, #tpu.memory_space<vmem>>
      %dma_wait3A_567 = tpu.memref_squeeze %dma_wait3A_566 : memref<1x100xi32, #tpu.memory_space<vmem>> -> memref<100xi32, #tpu.memory_space<vmem>>
      %dma_wait3A_568 = arith.constant 0 : i32
      %dma_wait3A_569 = arith.constant 0 : i32
      %dma_wait3A_570 = tpu.memref_slice %arg3[%dma_wait3A_568, %dma_wait3A_569] : memref<100000x64xf32, #tpu.memory_space<hbm>> -> memref<100000x64xf32, #tpu.memory_space<hbm>>
      tpu.wait_indirect_dma semaphore(%arg7 : memref<!tpu.dma_semaphore, #tpu.memory_space<semaphore_mem>>) src(%dma_wait3A_570 : memref<100000x64xf32, #tpu.memory_space<hbm>>) dst(%dma_wait3A_564 : memref<100x64xf32, #tpu.memory_space<vmem>>)
      %mul3A_571 = arith.constant 2 : i32
      %mul3A_572 = arith.muli %mul3A_571, %add3A_545 : i32
      %add3A_573 = arith.addi %mul3A_2, %mul3A_572 : i32
      %add3A_574 = arith.constant 0 : i32
      %add3A_575 = arith.addi %add3A_573, %add3A_574 : i32
      %dma_start3A_576 = arith.constant 4 : i32
      %dma_start3A_577 = arith.constant 0 : i32
      %dma_start3A_578 = arith.constant 0 : i32
      %dma_start3A_579 = tpu.memref_slice %arg6[%dma_start3A_576, %dma_start3A_577, %dma_start3A_578] : memref<8x100x64xf32, #tpu.memory_space<vmem>> -> memref<1x50x64xf32, #tpu.memory_space<vmem>>
      %dma_start3A_580 = tpu.memref_squeeze %dma_start3A_579 : memref<1x50x64xf32, #tpu.memory_space<vmem>> -> memref<50x64xf32, #tpu.memory_space<vmem>>
      %dma_start3A_581 = arith.constant 0 : i32
      %dma_start3A_582 = arith.constant 0 : i32
      %dma_start3A_583 = tpu.memref_slice %arg4[%add3A_575, %dma_start3A_581, %dma_start3A_582] : memref<4096x50x64xf32, #tpu.memory_space<hbm>> -> memref<1x50x64xf32, #tpu.memory_space<hbm>>
      %dma_start3A_584 = tpu.memref_squeeze %dma_start3A_583 : memref<1x50x64xf32, #tpu.memory_space<hbm>> -> memref<50x64xf32, #tpu.memory_space<hbm>>
      %dma_start3A_585 = arith.constant 0 : i32
      %dma_start3A_586 = arith.constant 0 : i32
      %dma_start3A_587 = tpu.memref_slice %arg4[%add3A_575, %dma_start3A_585, %dma_start3A_586] : memref<4096x50x64xf32, #tpu.memory_space<hbm>> -> memref<1x50x64xf32, #tpu.memory_space<hbm>>
      %dma_start3A_588 = tpu.memref_squeeze %dma_start3A_587 : memref<1x50x64xf32, #tpu.memory_space<hbm>> -> memref<50x64xf32, #tpu.memory_space<hbm>>
      %dma_start3A_589 = arith.constant 0 : i32
      %dma_start3A_590 = arith.constant 0 : i32
      %dma_start3A_591 = tpu.memref_slice %arg6[%dma_start3A_576, %dma_start3A_589, %dma_start3A_590] : memref<8x100x64xf32, #tpu.memory_space<vmem>> -> memref<1x50x64xf32, #tpu.memory_space<vmem>>
      %dma_start3A_592 = tpu.memref_squeeze %dma_start3A_591 : memref<1x50x64xf32, #tpu.memory_space<vmem>> -> memref<50x64xf32, #tpu.memory_space<vmem>>
      tpu.enqueue_dma source(%dma_start3A_592 : memref<50x64xf32, #tpu.memory_space<vmem>>) target(%dma_start3A_588 : memref<50x64xf32, #tpu.memory_space<hbm>>) target_semaphore(%arg8 : memref<!tpu.dma_semaphore, #tpu.memory_space<semaphore_mem>>)
      %mul3A_593 = arith.constant 2 : i32
      %mul3A_594 = arith.muli %mul3A_593, %add3A_545 : i32
      %add3A_595 = arith.addi %mul3A_2, %mul3A_594 : i32
      %add3A_596 = arith.constant 1 : i32
      %add3A_597 = arith.addi %add3A_595, %add3A_596 : i32
      %dma_start3A_598 = arith.constant 4 : i32
      %dma_start3A_599 = arith.constant 50 : i32
      %dma_start3A_600 = arith.constant 0 : i32
      %dma_start3A_601 = tpu.memref_slice %arg6[%dma_start3A_598, %dma_start3A_599, %dma_start3A_600] : memref<8x100x64xf32, #tpu.memory_space<vmem>> -> memref<1x50x64xf32, #tpu.memory_space<vmem>>
      %dma_start3A_602 = tpu.memref_squeeze %dma_start3A_601 : memref<1x50x64xf32, #tpu.memory_space<vmem>> -> memref<50x64xf32, #tpu.memory_space<vmem>>
      %dma_start3A_603 = arith.constant 0 : i32
      %dma_start3A_604 = arith.constant 0 : i32
      %dma_start3A_605 = tpu.memref_slice %arg4[%add3A_597, %dma_start3A_603, %dma_start3A_604] : memref<4096x50x64xf32, #tpu.memory_space<hbm>> -> memref<1x50x64xf32, #tpu.memory_space<hbm>>
      %dma_start3A_606 = tpu.memref_squeeze %dma_start3A_605 : memref<1x50x64xf32, #tpu.memory_space<hbm>> -> memref<50x64xf32, #tpu.memory_space<hbm>>
      %dma_start3A_607 = arith.constant 0 : i32
      %dma_start3A_608 = arith.constant 0 : i32
      %dma_start3A_609 = tpu.memref_slice %arg4[%add3A_597, %dma_start3A_607, %dma_start3A_608] : memref<4096x50x64xf32, #tpu.memory_space<hbm>> -> memref<1x50x64xf32, #tpu.memory_space<hbm>>
      %dma_start3A_610 = tpu.memref_squeeze %dma_start3A_609 : memref<1x50x64xf32, #tpu.memory_space<hbm>> -> memref<50x64xf32, #tpu.memory_space<hbm>>
      %dma_start3A_611 = arith.constant 50 : i32
      %dma_start3A_612 = arith.constant 0 : i32
      %dma_start3A_613 = tpu.memref_slice %arg6[%dma_start3A_598, %dma_start3A_611, %dma_start3A_612] : memref<8x100x64xf32, #tpu.memory_space<vmem>> -> memref<1x50x64xf32, #tpu.memory_space<vmem>>
      %dma_start3A_614 = tpu.memref_squeeze %dma_start3A_613 : memref<1x50x64xf32, #tpu.memory_space<vmem>> -> memref<50x64xf32, #tpu.memory_space<vmem>>
      tpu.enqueue_dma source(%dma_start3A_614 : memref<50x64xf32, #tpu.memory_space<vmem>>) target(%dma_start3A_610 : memref<50x64xf32, #tpu.memory_space<hbm>>) target_semaphore(%arg8 : memref<!tpu.dma_semaphore, #tpu.memory_space<semaphore_mem>>)
      %mul3A_615 = arith.constant 8 : i32
      %mul3A_616 = arith.muli %mul3A_615, %scan3A_254 : i32
      %add3A_617 = arith.constant 5 : i32
      %add3A_618 = arith.addi %mul3A_616, %add3A_617 : i32
      %sub3A_619 = arith.constant 5 : i32
      %sub3A_620 = arith.subi %add3A_618, %sub3A_619 : i32
      %ge3A_621 = arith.constant 0 : i32
      %ge3A_622 = arith.cmpi sge, %sub3A_620, %ge3A_621 : i32
      %convert_element_type3A_623 = arith.extui %ge3A_622 : i1 to i32
      %cond3A_624 = arith.constant 0 : i32
      %cond3A_625 = arith.cmpi ne, %convert_element_type3A_623, %cond3A_624 : i32
      scf.if %cond3A_625 {
        %sub3A_834 = arith.constant 5 : i32
        %sub3A_835 = arith.subi %add3A_618, %sub3A_834 : i32
        %mul3A_836 = arith.constant 2 : i32
        %mul3A_837 = arith.muli %mul3A_836, %sub3A_835 : i32
        %add3A_838 = arith.addi %mul3A_2, %mul3A_837 : i32
        %add3A_839 = arith.constant 0 : i32
        %add3A_840 = arith.addi %add3A_838, %add3A_839 : i32
        %dma_wait3A_841 = arith.constant 0 : i32
        %dma_wait3A_842 = arith.constant 0 : i32
        %dma_wait3A_843 = arith.constant 0 : i32
        %dma_wait3A_844 = tpu.memref_slice %arg6[%dma_wait3A_841, %dma_wait3A_842, %dma_wait3A_843] : memref<8x100x64xf32, #tpu.memory_space<vmem>> -> memref<1x50x64xf32, #tpu.memory_space<vmem>>
        %dma_wait3A_845 = tpu.memref_squeeze %dma_wait3A_844 : memref<1x50x64xf32, #tpu.memory_space<vmem>> -> memref<50x64xf32, #tpu.memory_space<vmem>>
        %dma_wait3A_846 = arith.constant 0 : i32
        %dma_wait3A_847 = arith.constant 0 : i32
        %dma_wait3A_848 = tpu.memref_slice %arg4[%add3A_840, %dma_wait3A_846, %dma_wait3A_847] : memref<4096x50x64xf32, #tpu.memory_space<hbm>> -> memref<1x50x64xf32, #tpu.memory_space<hbm>>
        %dma_wait3A_849 = tpu.memref_squeeze %dma_wait3A_848 : memref<1x50x64xf32, #tpu.memory_space<hbm>> -> memref<50x64xf32, #tpu.memory_space<hbm>>
        %dma_wait3A_850 = arith.constant 0 : i32
        %dma_wait3A_851 = arith.constant 0 : i32
        %dma_wait3A_852 = tpu.memref_slice %arg4[%add3A_840, %dma_wait3A_850, %dma_wait3A_851] : memref<4096x50x64xf32, #tpu.memory_space<hbm>> -> memref<1x50x64xf32, #tpu.memory_space<hbm>>
        %dma_wait3A_853 = tpu.memref_squeeze %dma_wait3A_852 : memref<1x50x64xf32, #tpu.memory_space<hbm>> -> memref<50x64xf32, #tpu.memory_space<hbm>>
        %dma_wait3A_854 = arith.constant 0 : i32
        %dma_wait3A_855 = arith.constant 0 : i32
        %dma_wait3A_856 = tpu.memref_slice %arg6[%dma_wait3A_841, %dma_wait3A_854, %dma_wait3A_855] : memref<8x100x64xf32, #tpu.memory_space<vmem>> -> memref<1x50x64xf32, #tpu.memory_space<vmem>>
        %dma_wait3A_857 = tpu.memref_squeeze %dma_wait3A_856 : memref<1x50x64xf32, #tpu.memory_space<vmem>> -> memref<50x64xf32, #tpu.memory_space<vmem>>
        tpu.wait_dma2 semaphore(%arg8 : memref<!tpu.dma_semaphore, #tpu.memory_space<semaphore_mem>>) src(%dma_wait3A_857 : memref<50x64xf32, #tpu.memory_space<vmem>>) dst(%dma_wait3A_853 : memref<50x64xf32, #tpu.memory_space<hbm>>)
        %sub3A_858 = arith.constant 5 : i32
        %sub3A_859 = arith.subi %add3A_618, %sub3A_858 : i32
        %mul3A_860 = arith.constant 2 : i32
        %mul3A_861 = arith.muli %mul3A_860, %sub3A_859 : i32
        %add3A_862 = arith.addi %mul3A_2, %mul3A_861 : i32
        %add3A_863 = arith.constant 1 : i32
        %add3A_864 = arith.addi %add3A_862, %add3A_863 : i32
        %dma_wait3A_865 = arith.constant 0 : i32
        %dma_wait3A_866 = arith.constant 50 : i32
        %dma_wait3A_867 = arith.constant 0 : i32
        %dma_wait3A_868 = tpu.memref_slice %arg6[%dma_wait3A_865, %dma_wait3A_866, %dma_wait3A_867] : memref<8x100x64xf32, #tpu.memory_space<vmem>> -> memref<1x50x64xf32, #tpu.memory_space<vmem>>
        %dma_wait3A_869 = tpu.memref_squeeze %dma_wait3A_868 : memref<1x50x64xf32, #tpu.memory_space<vmem>> -> memref<50x64xf32, #tpu.memory_space<vmem>>
        %dma_wait3A_870 = arith.constant 0 : i32
        %dma_wait3A_871 = arith.constant 0 : i32
        %dma_wait3A_872 = tpu.memref_slice %arg4[%add3A_864, %dma_wait3A_870, %dma_wait3A_871] : memref<4096x50x64xf32, #tpu.memory_space<hbm>> -> memref<1x50x64xf32, #tpu.memory_space<hbm>>
        %dma_wait3A_873 = tpu.memref_squeeze %dma_wait3A_872 : memref<1x50x64xf32, #tpu.memory_space<hbm>> -> memref<50x64xf32, #tpu.memory_space<hbm>>
        %dma_wait3A_874 = arith.constant 0 : i32
        %dma_wait3A_875 = arith.constant 0 : i32
        %dma_wait3A_876 = tpu.memref_slice %arg4[%add3A_864, %dma_wait3A_874, %dma_wait3A_875] : memref<4096x50x64xf32, #tpu.memory_space<hbm>> -> memref<1x50x64xf32, #tpu.memory_space<hbm>>
        %dma_wait3A_877 = tpu.memref_squeeze %dma_wait3A_876 : memref<1x50x64xf32, #tpu.memory_space<hbm>> -> memref<50x64xf32, #tpu.memory_space<hbm>>
        %dma_wait3A_878 = arith.constant 50 : i32
        %dma_wait3A_879 = arith.constant 0 : i32
        %dma_wait3A_880 = tpu.memref_slice %arg6[%dma_wait3A_865, %dma_wait3A_878, %dma_wait3A_879] : memref<8x100x64xf32, #tpu.memory_space<vmem>> -> memref<1x50x64xf32, #tpu.memory_space<vmem>>
        %dma_wait3A_881 = tpu.memref_squeeze %dma_wait3A_880 : memref<1x50x64xf32, #tpu.memory_space<vmem>> -> memref<50x64xf32, #tpu.memory_space<vmem>>
        tpu.wait_dma2 semaphore(%arg8 : memref<!tpu.dma_semaphore, #tpu.memory_space<semaphore_mem>>) src(%dma_wait3A_881 : memref<50x64xf32, #tpu.memory_space<vmem>>) dst(%dma_wait3A_877 : memref<50x64xf32, #tpu.memory_space<hbm>>)
      } else {
      }
      %add3A_626 = arith.constant 3 : i32
      %add3A_627 = arith.addi %add3A_618, %add3A_626 : i32
      %lt3A_628 = arith.constant 64 : i32
      %lt3A_629 = arith.cmpi slt, %add3A_627, %lt3A_628 : i32
      %convert_element_type3A_630 = arith.extui %lt3A_629 : i1 to i32
      %cond3A_631 = arith.constant 0 : i32
      %cond3A_632 = arith.cmpi ne, %convert_element_type3A_630, %cond3A_631 : i32
      scf.if %cond3A_632 {
        %add3A_834 = arith.constant 3 : i32
        %add3A_835 = arith.addi %add3A_618, %add3A_834 : i32
        %dma_start3A_836 = arith.constant 0 : i32
        %dma_start3A_837 = arith.constant 0 : i32
        %dma_start3A_838 = arith.constant 0 : i32
        %dma_start3A_839 = tpu.memref_slice %arg6[%dma_start3A_836, %dma_start3A_837, %dma_start3A_838] : memref<8x100x64xf32, #tpu.memory_space<vmem>> -> memref<1x100x64xf32, #tpu.memory_space<vmem>>
        %dma_start3A_840 = tpu.memref_squeeze %dma_start3A_839 : memref<1x100x64xf32, #tpu.memory_space<vmem>> -> memref<100x64xf32, #tpu.memory_space<vmem>>
        %dma_start3A_841 = arith.constant 0 : i32
        %dma_start3A_842 = tpu.memref_slice %arg5[%add3A_835, %dma_start3A_841] : memref<64x100xi32, #tpu.memory_space<vmem>> -> memref<1x100xi32, #tpu.memory_space<vmem>>
        %dma_start3A_843 = tpu.memref_squeeze %dma_start3A_842 : memref<1x100xi32, #tpu.memory_space<vmem>> -> memref<100xi32, #tpu.memory_space<vmem>>
        %dma_start3A_844 = arith.constant 0 : i32
        %dma_start3A_845 = arith.constant 0 : i32
        %dma_start3A_846 = tpu.memref_slice %arg3[%dma_start3A_844, %dma_start3A_845] : memref<100000x64xf32, #tpu.memory_space<hbm>> -> memref<100000x64xf32, #tpu.memory_space<hbm>>
        tpu.enqueue_indirect_dma source(%dma_start3A_846 : memref<100000x64xf32, #tpu.memory_space<hbm>>) target(%dma_start3A_840 : memref<100x64xf32, #tpu.memory_space<vmem>>) offsets(%dma_start3A_843 : memref<100xi32, #tpu.memory_space<vmem>>) semaphore(%arg7 : memref<!tpu.dma_semaphore, #tpu.memory_space<semaphore_mem>>)
      } else {
      }
      %dma_wait3A_633 = arith.constant 5 : i32
      %dma_wait3A_634 = arith.constant 0 : i32
      %dma_wait3A_635 = arith.constant 0 : i32
      %dma_wait3A_636 = tpu.memref_slice %arg6[%dma_wait3A_633, %dma_wait3A_634, %dma_wait3A_635] : memref<8x100x64xf32, #tpu.memory_space<vmem>> -> memref<1x100x64xf32, #tpu.memory_space<vmem>>
      %dma_wait3A_637 = tpu.memref_squeeze %dma_wait3A_636 : memref<1x100x64xf32, #tpu.memory_space<vmem>> -> memref<100x64xf32, #tpu.memory_space<vmem>>
      %dma_wait3A_638 = arith.constant 0 : i32
      %dma_wait3A_639 = tpu.memref_slice %arg5[%add3A_618, %dma_wait3A_638] : memref<64x100xi32, #tpu.memory_space<vmem>> -> memref<1x100xi32, #tpu.memory_space<vmem>>
      %dma_wait3A_640 = tpu.memref_squeeze %dma_wait3A_639 : memref<1x100xi32, #tpu.memory_space<vmem>> -> memref<100xi32, #tpu.memory_space<vmem>>
      %dma_wait3A_641 = arith.constant 0 : i32
      %dma_wait3A_642 = arith.constant 0 : i32
      %dma_wait3A_643 = tpu.memref_slice %arg3[%dma_wait3A_641, %dma_wait3A_642] : memref<100000x64xf32, #tpu.memory_space<hbm>> -> memref<100000x64xf32, #tpu.memory_space<hbm>>
      tpu.wait_indirect_dma semaphore(%arg7 : memref<!tpu.dma_semaphore, #tpu.memory_space<semaphore_mem>>) src(%dma_wait3A_643 : memref<100000x64xf32, #tpu.memory_space<hbm>>) dst(%dma_wait3A_637 : memref<100x64xf32, #tpu.memory_space<vmem>>)
      %mul3A_644 = arith.constant 2 : i32
      %mul3A_645 = arith.muli %mul3A_644, %add3A_618 : i32
      %add3A_646 = arith.addi %mul3A_2, %mul3A_645 : i32
      %add3A_647 = arith.constant 0 : i32
      %add3A_648 = arith.addi %add3A_646, %add3A_647 : i32
      %dma_start3A_649 = arith.constant 5 : i32
      %dma_start3A_650 = arith.constant 0 : i32
      %dma_start3A_651 = arith.constant 0 : i32
      %dma_start3A_652 = tpu.memref_slice %arg6[%dma_start3A_649, %dma_start3A_650, %dma_start3A_651] : memref<8x100x64xf32, #tpu.memory_space<vmem>> -> memref<1x50x64xf32, #tpu.memory_space<vmem>>
      %dma_start3A_653 = tpu.memref_squeeze %dma_start3A_652 : memref<1x50x64xf32, #tpu.memory_space<vmem>> -> memref<50x64xf32, #tpu.memory_space<vmem>>
      %dma_start3A_654 = arith.constant 0 : i32
      %dma_start3A_655 = arith.constant 0 : i32
      %dma_start3A_656 = tpu.memref_slice %arg4[%add3A_648, %dma_start3A_654, %dma_start3A_655] : memref<4096x50x64xf32, #tpu.memory_space<hbm>> -> memref<1x50x64xf32, #tpu.memory_space<hbm>>
      %dma_start3A_657 = tpu.memref_squeeze %dma_start3A_656 : memref<1x50x64xf32, #tpu.memory_space<hbm>> -> memref<50x64xf32, #tpu.memory_space<hbm>>
      %dma_start3A_658 = arith.constant 0 : i32
      %dma_start3A_659 = arith.constant 0 : i32
      %dma_start3A_660 = tpu.memref_slice %arg4[%add3A_648, %dma_start3A_658, %dma_start3A_659] : memref<4096x50x64xf32, #tpu.memory_space<hbm>> -> memref<1x50x64xf32, #tpu.memory_space<hbm>>
      %dma_start3A_661 = tpu.memref_squeeze %dma_start3A_660 : memref<1x50x64xf32, #tpu.memory_space<hbm>> -> memref<50x64xf32, #tpu.memory_space<hbm>>
      %dma_start3A_662 = arith.constant 0 : i32
      %dma_start3A_663 = arith.constant 0 : i32
      %dma_start3A_664 = tpu.memref_slice %arg6[%dma_start3A_649, %dma_start3A_662, %dma_start3A_663] : memref<8x100x64xf32, #tpu.memory_space<vmem>> -> memref<1x50x64xf32, #tpu.memory_space<vmem>>
      %dma_start3A_665 = tpu.memref_squeeze %dma_start3A_664 : memref<1x50x64xf32, #tpu.memory_space<vmem>> -> memref<50x64xf32, #tpu.memory_space<vmem>>
      tpu.enqueue_dma source(%dma_start3A_665 : memref<50x64xf32, #tpu.memory_space<vmem>>) target(%dma_start3A_661 : memref<50x64xf32, #tpu.memory_space<hbm>>) target_semaphore(%arg8 : memref<!tpu.dma_semaphore, #tpu.memory_space<semaphore_mem>>)
      %mul3A_666 = arith.constant 2 : i32
      %mul3A_667 = arith.muli %mul3A_666, %add3A_618 : i32
      %add3A_668 = arith.addi %mul3A_2, %mul3A_667 : i32
      %add3A_669 = arith.constant 1 : i32
      %add3A_670 = arith.addi %add3A_668, %add3A_669 : i32
      %dma_start3A_671 = arith.constant 5 : i32
      %dma_start3A_672 = arith.constant 50 : i32
      %dma_start3A_673 = arith.constant 0 : i32
      %dma_start3A_674 = tpu.memref_slice %arg6[%dma_start3A_671, %dma_start3A_672, %dma_start3A_673] : memref<8x100x64xf32, #tpu.memory_space<vmem>> -> memref<1x50x64xf32, #tpu.memory_space<vmem>>
      %dma_start3A_675 = tpu.memref_squeeze %dma_start3A_674 : memref<1x50x64xf32, #tpu.memory_space<vmem>> -> memref<50x64xf32, #tpu.memory_space<vmem>>
      %dma_start3A_676 = arith.constant 0 : i32
      %dma_start3A_677 = arith.constant 0 : i32
      %dma_start3A_678 = tpu.memref_slice %arg4[%add3A_670, %dma_start3A_676, %dma_start3A_677] : memref<4096x50x64xf32, #tpu.memory_space<hbm>> -> memref<1x50x64xf32, #tpu.memory_space<hbm>>
      %dma_start3A_679 = tpu.memref_squeeze %dma_start3A_678 : memref<1x50x64xf32, #tpu.memory_space<hbm>> -> memref<50x64xf32, #tpu.memory_space<hbm>>
      %dma_start3A_680 = arith.constant 0 : i32
      %dma_start3A_681 = arith.constant 0 : i32
      %dma_start3A_682 = tpu.memref_slice %arg4[%add3A_670, %dma_start3A_680, %dma_start3A_681] : memref<4096x50x64xf32, #tpu.memory_space<hbm>> -> memref<1x50x64xf32, #tpu.memory_space<hbm>>
      %dma_start3A_683 = tpu.memref_squeeze %dma_start3A_682 : memref<1x50x64xf32, #tpu.memory_space<hbm>> -> memref<50x64xf32, #tpu.memory_space<hbm>>
      %dma_start3A_684 = arith.constant 50 : i32
      %dma_start3A_685 = arith.constant 0 : i32
      %dma_start3A_686 = tpu.memref_slice %arg6[%dma_start3A_671, %dma_start3A_684, %dma_start3A_685] : memref<8x100x64xf32, #tpu.memory_space<vmem>> -> memref<1x50x64xf32, #tpu.memory_space<vmem>>
      %dma_start3A_687 = tpu.memref_squeeze %dma_start3A_686 : memref<1x50x64xf32, #tpu.memory_space<vmem>> -> memref<50x64xf32, #tpu.memory_space<vmem>>
      tpu.enqueue_dma source(%dma_start3A_687 : memref<50x64xf32, #tpu.memory_space<vmem>>) target(%dma_start3A_683 : memref<50x64xf32, #tpu.memory_space<hbm>>) target_semaphore(%arg8 : memref<!tpu.dma_semaphore, #tpu.memory_space<semaphore_mem>>)
      %mul3A_688 = arith.constant 8 : i32
      %mul3A_689 = arith.muli %mul3A_688, %scan3A_254 : i32
      %add3A_690 = arith.constant 6 : i32
      %add3A_691 = arith.addi %mul3A_689, %add3A_690 : i32
      %sub3A_692 = arith.constant 5 : i32
      %sub3A_693 = arith.subi %add3A_691, %sub3A_692 : i32
      %ge3A_694 = arith.constant 0 : i32
      %ge3A_695 = arith.cmpi sge, %sub3A_693, %ge3A_694 : i32
      %convert_element_type3A_696 = arith.extui %ge3A_695 : i1 to i32
      %cond3A_697 = arith.constant 0 : i32
      %cond3A_698 = arith.cmpi ne, %convert_element_type3A_696, %cond3A_697 : i32
      scf.if %cond3A_698 {
        %sub3A_834 = arith.constant 5 : i32
        %sub3A_835 = arith.subi %add3A_691, %sub3A_834 : i32
        %mul3A_836 = arith.constant 2 : i32
        %mul3A_837 = arith.muli %mul3A_836, %sub3A_835 : i32
        %add3A_838 = arith.addi %mul3A_2, %mul3A_837 : i32
        %add3A_839 = arith.constant 0 : i32
        %add3A_840 = arith.addi %add3A_838, %add3A_839 : i32
        %dma_wait3A_841 = arith.constant 1 : i32
        %dma_wait3A_842 = arith.constant 0 : i32
        %dma_wait3A_843 = arith.constant 0 : i32
        %dma_wait3A_844 = tpu.memref_slice %arg6[%dma_wait3A_841, %dma_wait3A_842, %dma_wait3A_843] : memref<8x100x64xf32, #tpu.memory_space<vmem>> -> memref<1x50x64xf32, #tpu.memory_space<vmem>>
        %dma_wait3A_845 = tpu.memref_squeeze %dma_wait3A_844 : memref<1x50x64xf32, #tpu.memory_space<vmem>> -> memref<50x64xf32, #tpu.memory_space<vmem>>
        %dma_wait3A_846 = arith.constant 0 : i32
        %dma_wait3A_847 = arith.constant 0 : i32
        %dma_wait3A_848 = tpu.memref_slice %arg4[%add3A_840, %dma_wait3A_846, %dma_wait3A_847] : memref<4096x50x64xf32, #tpu.memory_space<hbm>> -> memref<1x50x64xf32, #tpu.memory_space<hbm>>
        %dma_wait3A_849 = tpu.memref_squeeze %dma_wait3A_848 : memref<1x50x64xf32, #tpu.memory_space<hbm>> -> memref<50x64xf32, #tpu.memory_space<hbm>>
        %dma_wait3A_850 = arith.constant 0 : i32
        %dma_wait3A_851 = arith.constant 0 : i32
        %dma_wait3A_852 = tpu.memref_slice %arg4[%add3A_840, %dma_wait3A_850, %dma_wait3A_851] : memref<4096x50x64xf32, #tpu.memory_space<hbm>> -> memref<1x50x64xf32, #tpu.memory_space<hbm>>
        %dma_wait3A_853 = tpu.memref_squeeze %dma_wait3A_852 : memref<1x50x64xf32, #tpu.memory_space<hbm>> -> memref<50x64xf32, #tpu.memory_space<hbm>>
        %dma_wait3A_854 = arith.constant 0 : i32
        %dma_wait3A_855 = arith.constant 0 : i32
        %dma_wait3A_856 = tpu.memref_slice %arg6[%dma_wait3A_841, %dma_wait3A_854, %dma_wait3A_855] : memref<8x100x64xf32, #tpu.memory_space<vmem>> -> memref<1x50x64xf32, #tpu.memory_space<vmem>>
        %dma_wait3A_857 = tpu.memref_squeeze %dma_wait3A_856 : memref<1x50x64xf32, #tpu.memory_space<vmem>> -> memref<50x64xf32, #tpu.memory_space<vmem>>
        tpu.wait_dma2 semaphore(%arg8 : memref<!tpu.dma_semaphore, #tpu.memory_space<semaphore_mem>>) src(%dma_wait3A_857 : memref<50x64xf32, #tpu.memory_space<vmem>>) dst(%dma_wait3A_853 : memref<50x64xf32, #tpu.memory_space<hbm>>)
        %sub3A_858 = arith.constant 5 : i32
        %sub3A_859 = arith.subi %add3A_691, %sub3A_858 : i32
        %mul3A_860 = arith.constant 2 : i32
        %mul3A_861 = arith.muli %mul3A_860, %sub3A_859 : i32
        %add3A_862 = arith.addi %mul3A_2, %mul3A_861 : i32
        %add3A_863 = arith.constant 1 : i32
        %add3A_864 = arith.addi %add3A_862, %add3A_863 : i32
        %dma_wait3A_865 = arith.constant 1 : i32
        %dma_wait3A_866 = arith.constant 50 : i32
        %dma_wait3A_867 = arith.constant 0 : i32
        %dma_wait3A_868 = tpu.memref_slice %arg6[%dma_wait3A_865, %dma_wait3A_866, %dma_wait3A_867] : memref<8x100x64xf32, #tpu.memory_space<vmem>> -> memref<1x50x64xf32, #tpu.memory_space<vmem>>
        %dma_wait3A_869 = tpu.memref_squeeze %dma_wait3A_868 : memref<1x50x64xf32, #tpu.memory_space<vmem>> -> memref<50x64xf32, #tpu.memory_space<vmem>>
        %dma_wait3A_870 = arith.constant 0 : i32
        %dma_wait3A_871 = arith.constant 0 : i32
        %dma_wait3A_872 = tpu.memref_slice %arg4[%add3A_864, %dma_wait3A_870, %dma_wait3A_871] : memref<4096x50x64xf32, #tpu.memory_space<hbm>> -> memref<1x50x64xf32, #tpu.memory_space<hbm>>
        %dma_wait3A_873 = tpu.memref_squeeze %dma_wait3A_872 : memref<1x50x64xf32, #tpu.memory_space<hbm>> -> memref<50x64xf32, #tpu.memory_space<hbm>>
        %dma_wait3A_874 = arith.constant 0 : i32
        %dma_wait3A_875 = arith.constant 0 : i32
        %dma_wait3A_876 = tpu.memref_slice %arg4[%add3A_864, %dma_wait3A_874, %dma_wait3A_875] : memref<4096x50x64xf32, #tpu.memory_space<hbm>> -> memref<1x50x64xf32, #tpu.memory_space<hbm>>
        %dma_wait3A_877 = tpu.memref_squeeze %dma_wait3A_876 : memref<1x50x64xf32, #tpu.memory_space<hbm>> -> memref<50x64xf32, #tpu.memory_space<hbm>>
        %dma_wait3A_878 = arith.constant 50 : i32
        %dma_wait3A_879 = arith.constant 0 : i32
        %dma_wait3A_880 = tpu.memref_slice %arg6[%dma_wait3A_865, %dma_wait3A_878, %dma_wait3A_879] : memref<8x100x64xf32, #tpu.memory_space<vmem>> -> memref<1x50x64xf32, #tpu.memory_space<vmem>>
        %dma_wait3A_881 = tpu.memref_squeeze %dma_wait3A_880 : memref<1x50x64xf32, #tpu.memory_space<vmem>> -> memref<50x64xf32, #tpu.memory_space<vmem>>
        tpu.wait_dma2 semaphore(%arg8 : memref<!tpu.dma_semaphore, #tpu.memory_space<semaphore_mem>>) src(%dma_wait3A_881 : memref<50x64xf32, #tpu.memory_space<vmem>>) dst(%dma_wait3A_877 : memref<50x64xf32, #tpu.memory_space<hbm>>)
      } else {
      }
      %add3A_699 = arith.constant 3 : i32
      %add3A_700 = arith.addi %add3A_691, %add3A_699 : i32
      %lt3A_701 = arith.constant 64 : i32
      %lt3A_702 = arith.cmpi slt, %add3A_700, %lt3A_701 : i32
      %convert_element_type3A_703 = arith.extui %lt3A_702 : i1 to i32
      %cond3A_704 = arith.constant 0 : i32
      %cond3A_705 = arith.cmpi ne, %convert_element_type3A_703, %cond3A_704 : i32
      scf.if %cond3A_705 {
        %add3A_834 = arith.constant 3 : i32
        %add3A_835 = arith.addi %add3A_691, %add3A_834 : i32
        %dma_start3A_836 = arith.constant 1 : i32
        %dma_start3A_837 = arith.constant 0 : i32
        %dma_start3A_838 = arith.constant 0 : i32
        %dma_start3A_839 = tpu.memref_slice %arg6[%dma_start3A_836, %dma_start3A_837, %dma_start3A_838] : memref<8x100x64xf32, #tpu.memory_space<vmem>> -> memref<1x100x64xf32, #tpu.memory_space<vmem>>
        %dma_start3A_840 = tpu.memref_squeeze %dma_start3A_839 : memref<1x100x64xf32, #tpu.memory_space<vmem>> -> memref<100x64xf32, #tpu.memory_space<vmem>>
        %dma_start3A_841 = arith.constant 0 : i32
        %dma_start3A_842 = tpu.memref_slice %arg5[%add3A_835, %dma_start3A_841] : memref<64x100xi32, #tpu.memory_space<vmem>> -> memref<1x100xi32, #tpu.memory_space<vmem>>
        %dma_start3A_843 = tpu.memref_squeeze %dma_start3A_842 : memref<1x100xi32, #tpu.memory_space<vmem>> -> memref<100xi32, #tpu.memory_space<vmem>>
        %dma_start3A_844 = arith.constant 0 : i32
        %dma_start3A_845 = arith.constant 0 : i32
        %dma_start3A_846 = tpu.memref_slice %arg3[%dma_start3A_844, %dma_start3A_845] : memref<100000x64xf32, #tpu.memory_space<hbm>> -> memref<100000x64xf32, #tpu.memory_space<hbm>>
        tpu.enqueue_indirect_dma source(%dma_start3A_846 : memref<100000x64xf32, #tpu.memory_space<hbm>>) target(%dma_start3A_840 : memref<100x64xf32, #tpu.memory_space<vmem>>) offsets(%dma_start3A_843 : memref<100xi32, #tpu.memory_space<vmem>>) semaphore(%arg7 : memref<!tpu.dma_semaphore, #tpu.memory_space<semaphore_mem>>)
      } else {
      }
      %dma_wait3A_706 = arith.constant 6 : i32
      %dma_wait3A_707 = arith.constant 0 : i32
      %dma_wait3A_708 = arith.constant 0 : i32
      %dma_wait3A_709 = tpu.memref_slice %arg6[%dma_wait3A_706, %dma_wait3A_707, %dma_wait3A_708] : memref<8x100x64xf32, #tpu.memory_space<vmem>> -> memref<1x100x64xf32, #tpu.memory_space<vmem>>
      %dma_wait3A_710 = tpu.memref_squeeze %dma_wait3A_709 : memref<1x100x64xf32, #tpu.memory_space<vmem>> -> memref<100x64xf32, #tpu.memory_space<vmem>>
      %dma_wait3A_711 = arith.constant 0 : i32
      %dma_wait3A_712 = tpu.memref_slice %arg5[%add3A_691, %dma_wait3A_711] : memref<64x100xi32, #tpu.memory_space<vmem>> -> memref<1x100xi32, #tpu.memory_space<vmem>>
      %dma_wait3A_713 = tpu.memref_squeeze %dma_wait3A_712 : memref<1x100xi32, #tpu.memory_space<vmem>> -> memref<100xi32, #tpu.memory_space<vmem>>
      %dma_wait3A_714 = arith.constant 0 : i32
      %dma_wait3A_715 = arith.constant 0 : i32
      %dma_wait3A_716 = tpu.memref_slice %arg3[%dma_wait3A_714, %dma_wait3A_715] : memref<100000x64xf32, #tpu.memory_space<hbm>> -> memref<100000x64xf32, #tpu.memory_space<hbm>>
      tpu.wait_indirect_dma semaphore(%arg7 : memref<!tpu.dma_semaphore, #tpu.memory_space<semaphore_mem>>) src(%dma_wait3A_716 : memref<100000x64xf32, #tpu.memory_space<hbm>>) dst(%dma_wait3A_710 : memref<100x64xf32, #tpu.memory_space<vmem>>)
      %mul3A_717 = arith.constant 2 : i32
      %mul3A_718 = arith.muli %mul3A_717, %add3A_691 : i32
      %add3A_719 = arith.addi %mul3A_2, %mul3A_718 : i32
      %add3A_720 = arith.constant 0 : i32
      %add3A_721 = arith.addi %add3A_719, %add3A_720 : i32
      %dma_start3A_722 = arith.constant 6 : i32
      %dma_start3A_723 = arith.constant 0 : i32
      %dma_start3A_724 = arith.constant 0 : i32
      %dma_start3A_725 = tpu.memref_slice %arg6[%dma_start3A_722, %dma_start3A_723, %dma_start3A_724] : memref<8x100x64xf32, #tpu.memory_space<vmem>> -> memref<1x50x64xf32, #tpu.memory_space<vmem>>
      %dma_start3A_726 = tpu.memref_squeeze %dma_start3A_725 : memref<1x50x64xf32, #tpu.memory_space<vmem>> -> memref<50x64xf32, #tpu.memory_space<vmem>>
      %dma_start3A_727 = arith.constant 0 : i32
      %dma_start3A_728 = arith.constant 0 : i32
      %dma_start3A_729 = tpu.memref_slice %arg4[%add3A_721, %dma_start3A_727, %dma_start3A_728] : memref<4096x50x64xf32, #tpu.memory_space<hbm>> -> memref<1x50x64xf32, #tpu.memory_space<hbm>>
      %dma_start3A_730 = tpu.memref_squeeze %dma_start3A_729 : memref<1x50x64xf32, #tpu.memory_space<hbm>> -> memref<50x64xf32, #tpu.memory_space<hbm>>
      %dma_start3A_731 = arith.constant 0 : i32
      %dma_start3A_732 = arith.constant 0 : i32
      %dma_start3A_733 = tpu.memref_slice %arg4[%add3A_721, %dma_start3A_731, %dma_start3A_732] : memref<4096x50x64xf32, #tpu.memory_space<hbm>> -> memref<1x50x64xf32, #tpu.memory_space<hbm>>
      %dma_start3A_734 = tpu.memref_squeeze %dma_start3A_733 : memref<1x50x64xf32, #tpu.memory_space<hbm>> -> memref<50x64xf32, #tpu.memory_space<hbm>>
      %dma_start3A_735 = arith.constant 0 : i32
      %dma_start3A_736 = arith.constant 0 : i32
      %dma_start3A_737 = tpu.memref_slice %arg6[%dma_start3A_722, %dma_start3A_735, %dma_start3A_736] : memref<8x100x64xf32, #tpu.memory_space<vmem>> -> memref<1x50x64xf32, #tpu.memory_space<vmem>>
      %dma_start3A_738 = tpu.memref_squeeze %dma_start3A_737 : memref<1x50x64xf32, #tpu.memory_space<vmem>> -> memref<50x64xf32, #tpu.memory_space<vmem>>
      tpu.enqueue_dma source(%dma_start3A_738 : memref<50x64xf32, #tpu.memory_space<vmem>>) target(%dma_start3A_734 : memref<50x64xf32, #tpu.memory_space<hbm>>) target_semaphore(%arg8 : memref<!tpu.dma_semaphore, #tpu.memory_space<semaphore_mem>>)
      %mul3A_739 = arith.constant 2 : i32
      %mul3A_740 = arith.muli %mul3A_739, %add3A_691 : i32
      %add3A_741 = arith.addi %mul3A_2, %mul3A_740 : i32
      %add3A_742 = arith.constant 1 : i32
      %add3A_743 = arith.addi %add3A_741, %add3A_742 : i32
      %dma_start3A_744 = arith.constant 6 : i32
      %dma_start3A_745 = arith.constant 50 : i32
      %dma_start3A_746 = arith.constant 0 : i32
      %dma_start3A_747 = tpu.memref_slice %arg6[%dma_start3A_744, %dma_start3A_745, %dma_start3A_746] : memref<8x100x64xf32, #tpu.memory_space<vmem>> -> memref<1x50x64xf32, #tpu.memory_space<vmem>>
      %dma_start3A_748 = tpu.memref_squeeze %dma_start3A_747 : memref<1x50x64xf32, #tpu.memory_space<vmem>> -> memref<50x64xf32, #tpu.memory_space<vmem>>
      %dma_start3A_749 = arith.constant 0 : i32
      %dma_start3A_750 = arith.constant 0 : i32
      %dma_start3A_751 = tpu.memref_slice %arg4[%add3A_743, %dma_start3A_749, %dma_start3A_750] : memref<4096x50x64xf32, #tpu.memory_space<hbm>> -> memref<1x50x64xf32, #tpu.memory_space<hbm>>
      %dma_start3A_752 = tpu.memref_squeeze %dma_start3A_751 : memref<1x50x64xf32, #tpu.memory_space<hbm>> -> memref<50x64xf32, #tpu.memory_space<hbm>>
      %dma_start3A_753 = arith.constant 0 : i32
      %dma_start3A_754 = arith.constant 0 : i32
      %dma_start3A_755 = tpu.memref_slice %arg4[%add3A_743, %dma_start3A_753, %dma_start3A_754] : memref<4096x50x64xf32, #tpu.memory_space<hbm>> -> memref<1x50x64xf32, #tpu.memory_space<hbm>>
      %dma_start3A_756 = tpu.memref_squeeze %dma_start3A_755 : memref<1x50x64xf32, #tpu.memory_space<hbm>> -> memref<50x64xf32, #tpu.memory_space<hbm>>
      %dma_start3A_757 = arith.constant 50 : i32
      %dma_start3A_758 = arith.constant 0 : i32
      %dma_start3A_759 = tpu.memref_slice %arg6[%dma_start3A_744, %dma_start3A_757, %dma_start3A_758] : memref<8x100x64xf32, #tpu.memory_space<vmem>> -> memref<1x50x64xf32, #tpu.memory_space<vmem>>
      %dma_start3A_760 = tpu.memref_squeeze %dma_start3A_759 : memref<1x50x64xf32, #tpu.memory_space<vmem>> -> memref<50x64xf32, #tpu.memory_space<vmem>>
      tpu.enqueue_dma source(%dma_start3A_760 : memref<50x64xf32, #tpu.memory_space<vmem>>) target(%dma_start3A_756 : memref<50x64xf32, #tpu.memory_space<hbm>>) target_semaphore(%arg8 : memref<!tpu.dma_semaphore, #tpu.memory_space<semaphore_mem>>)
      %mul3A_761 = arith.constant 8 : i32
      %mul3A_762 = arith.muli %mul3A_761, %scan3A_254 : i32
      %add3A_763 = arith.constant 7 : i32
      %add3A_764 = arith.addi %mul3A_762, %add3A_763 : i32
      %sub3A_765 = arith.constant 5 : i32
      %sub3A_766 = arith.subi %add3A_764, %sub3A_765 : i32
      %ge3A_767 = arith.constant 0 : i32
      %ge3A_768 = arith.cmpi sge, %sub3A_766, %ge3A_767 : i32
      %convert_element_type3A_769 = arith.extui %ge3A_768 : i1 to i32
      %cond3A_770 = arith.constant 0 : i32
      %cond3A_771 = arith.cmpi ne, %convert_element_type3A_769, %cond3A_770 : i32
      scf.if %cond3A_771 {
        %sub3A_834 = arith.constant 5 : i32
        %sub3A_835 = arith.subi %add3A_764, %sub3A_834 : i32
        %mul3A_836 = arith.constant 2 : i32
        %mul3A_837 = arith.muli %mul3A_836, %sub3A_835 : i32
        %add3A_838 = arith.addi %mul3A_2, %mul3A_837 : i32
        %add3A_839 = arith.constant 0 : i32
        %add3A_840 = arith.addi %add3A_838, %add3A_839 : i32
        %dma_wait3A_841 = arith.constant 2 : i32
        %dma_wait3A_842 = arith.constant 0 : i32
        %dma_wait3A_843 = arith.constant 0 : i32
        %dma_wait3A_844 = tpu.memref_slice %arg6[%dma_wait3A_841, %dma_wait3A_842, %dma_wait3A_843] : memref<8x100x64xf32, #tpu.memory_space<vmem>> -> memref<1x50x64xf32, #tpu.memory_space<vmem>>
        %dma_wait3A_845 = tpu.memref_squeeze %dma_wait3A_844 : memref<1x50x64xf32, #tpu.memory_space<vmem>> -> memref<50x64xf32, #tpu.memory_space<vmem>>
        %dma_wait3A_846 = arith.constant 0 : i32
        %dma_wait3A_847 = arith.constant 0 : i32
        %dma_wait3A_848 = tpu.memref_slice %arg4[%add3A_840, %dma_wait3A_846, %dma_wait3A_847] : memref<4096x50x64xf32, #tpu.memory_space<hbm>> -> memref<1x50x64xf32, #tpu.memory_space<hbm>>
        %dma_wait3A_849 = tpu.memref_squeeze %dma_wait3A_848 : memref<1x50x64xf32, #tpu.memory_space<hbm>> -> memref<50x64xf32, #tpu.memory_space<hbm>>
        %dma_wait3A_850 = arith.constant 0 : i32
        %dma_wait3A_851 = arith.constant 0 : i32
        %dma_wait3A_852 = tpu.memref_slice %arg4[%add3A_840, %dma_wait3A_850, %dma_wait3A_851] : memref<4096x50x64xf32, #tpu.memory_space<hbm>> -> memref<1x50x64xf32, #tpu.memory_space<hbm>>
        %dma_wait3A_853 = tpu.memref_squeeze %dma_wait3A_852 : memref<1x50x64xf32, #tpu.memory_space<hbm>> -> memref<50x64xf32, #tpu.memory_space<hbm>>
        %dma_wait3A_854 = arith.constant 0 : i32
        %dma_wait3A_855 = arith.constant 0 : i32
        %dma_wait3A_856 = tpu.memref_slice %arg6[%dma_wait3A_841, %dma_wait3A_854, %dma_wait3A_855] : memref<8x100x64xf32, #tpu.memory_space<vmem>> -> memref<1x50x64xf32, #tpu.memory_space<vmem>>
        %dma_wait3A_857 = tpu.memref_squeeze %dma_wait3A_856 : memref<1x50x64xf32, #tpu.memory_space<vmem>> -> memref<50x64xf32, #tpu.memory_space<vmem>>
        tpu.wait_dma2 semaphore(%arg8 : memref<!tpu.dma_semaphore, #tpu.memory_space<semaphore_mem>>) src(%dma_wait3A_857 : memref<50x64xf32, #tpu.memory_space<vmem>>) dst(%dma_wait3A_853 : memref<50x64xf32, #tpu.memory_space<hbm>>)
        %sub3A_858 = arith.constant 5 : i32
        %sub3A_859 = arith.subi %add3A_764, %sub3A_858 : i32
        %mul3A_860 = arith.constant 2 : i32
        %mul3A_861 = arith.muli %mul3A_860, %sub3A_859 : i32
        %add3A_862 = arith.addi %mul3A_2, %mul3A_861 : i32
        %add3A_863 = arith.constant 1 : i32
        %add3A_864 = arith.addi %add3A_862, %add3A_863 : i32
        %dma_wait3A_865 = arith.constant 2 : i32
        %dma_wait3A_866 = arith.constant 50 : i32
        %dma_wait3A_867 = arith.constant 0 : i32
        %dma_wait3A_868 = tpu.memref_slice %arg6[%dma_wait3A_865, %dma_wait3A_866, %dma_wait3A_867] : memref<8x100x64xf32, #tpu.memory_space<vmem>> -> memref<1x50x64xf32, #tpu.memory_space<vmem>>
        %dma_wait3A_869 = tpu.memref_squeeze %dma_wait3A_868 : memref<1x50x64xf32, #tpu.memory_space<vmem>> -> memref<50x64xf32, #tpu.memory_space<vmem>>
        %dma_wait3A_870 = arith.constant 0 : i32
        %dma_wait3A_871 = arith.constant 0 : i32
        %dma_wait3A_872 = tpu.memref_slice %arg4[%add3A_864, %dma_wait3A_870, %dma_wait3A_871] : memref<4096x50x64xf32, #tpu.memory_space<hbm>> -> memref<1x50x64xf32, #tpu.memory_space<hbm>>
        %dma_wait3A_873 = tpu.memref_squeeze %dma_wait3A_872 : memref<1x50x64xf32, #tpu.memory_space<hbm>> -> memref<50x64xf32, #tpu.memory_space<hbm>>
        %dma_wait3A_874 = arith.constant 0 : i32
        %dma_wait3A_875 = arith.constant 0 : i32
        %dma_wait3A_876 = tpu.memref_slice %arg4[%add3A_864, %dma_wait3A_874, %dma_wait3A_875] : memref<4096x50x64xf32, #tpu.memory_space<hbm>> -> memref<1x50x64xf32, #tpu.memory_space<hbm>>
        %dma_wait3A_877 = tpu.memref_squeeze %dma_wait3A_876 : memref<1x50x64xf32, #tpu.memory_space<hbm>> -> memref<50x64xf32, #tpu.memory_space<hbm>>
        %dma_wait3A_878 = arith.constant 50 : i32
        %dma_wait3A_879 = arith.constant 0 : i32
        %dma_wait3A_880 = tpu.memref_slice %arg6[%dma_wait3A_865, %dma_wait3A_878, %dma_wait3A_879] : memref<8x100x64xf32, #tpu.memory_space<vmem>> -> memref<1x50x64xf32, #tpu.memory_space<vmem>>
        %dma_wait3A_881 = tpu.memref_squeeze %dma_wait3A_880 : memref<1x50x64xf32, #tpu.memory_space<vmem>> -> memref<50x64xf32, #tpu.memory_space<vmem>>
        tpu.wait_dma2 semaphore(%arg8 : memref<!tpu.dma_semaphore, #tpu.memory_space<semaphore_mem>>) src(%dma_wait3A_881 : memref<50x64xf32, #tpu.memory_space<vmem>>) dst(%dma_wait3A_877 : memref<50x64xf32, #tpu.memory_space<hbm>>)
      } else {
      }
      %add3A_772 = arith.constant 3 : i32
      %add3A_773 = arith.addi %add3A_764, %add3A_772 : i32
      %lt3A_774 = arith.constant 64 : i32
      %lt3A_775 = arith.cmpi slt, %add3A_773, %lt3A_774 : i32
      %convert_element_type3A_776 = arith.extui %lt3A_775 : i1 to i32
      %cond3A_777 = arith.constant 0 : i32
      %cond3A_778 = arith.cmpi ne, %convert_element_type3A_776, %cond3A_777 : i32
      scf.if %cond3A_778 {
        %add3A_834 = arith.constant 3 : i32
        %add3A_835 = arith.addi %add3A_764, %add3A_834 : i32
        %dma_start3A_836 = arith.constant 2 : i32
        %dma_start3A_837 = arith.constant 0 : i32
        %dma_start3A_838 = arith.constant 0 : i32
        %dma_start3A_839 = tpu.memref_slice %arg6[%dma_start3A_836, %dma_start3A_837, %dma_start3A_838] : memref<8x100x64xf32, #tpu.memory_space<vmem>> -> memref<1x100x64xf32, #tpu.memory_space<vmem>>
        %dma_start3A_840 = tpu.memref_squeeze %dma_start3A_839 : memref<1x100x64xf32, #tpu.memory_space<vmem>> -> memref<100x64xf32, #tpu.memory_space<vmem>>
        %dma_start3A_841 = arith.constant 0 : i32
        %dma_start3A_842 = tpu.memref_slice %arg5[%add3A_835, %dma_start3A_841] : memref<64x100xi32, #tpu.memory_space<vmem>> -> memref<1x100xi32, #tpu.memory_space<vmem>>
        %dma_start3A_843 = tpu.memref_squeeze %dma_start3A_842 : memref<1x100xi32, #tpu.memory_space<vmem>> -> memref<100xi32, #tpu.memory_space<vmem>>
        %dma_start3A_844 = arith.constant 0 : i32
        %dma_start3A_845 = arith.constant 0 : i32
        %dma_start3A_846 = tpu.memref_slice %arg3[%dma_start3A_844, %dma_start3A_845] : memref<100000x64xf32, #tpu.memory_space<hbm>> -> memref<100000x64xf32, #tpu.memory_space<hbm>>
        tpu.enqueue_indirect_dma source(%dma_start3A_846 : memref<100000x64xf32, #tpu.memory_space<hbm>>) target(%dma_start3A_840 : memref<100x64xf32, #tpu.memory_space<vmem>>) offsets(%dma_start3A_843 : memref<100xi32, #tpu.memory_space<vmem>>) semaphore(%arg7 : memref<!tpu.dma_semaphore, #tpu.memory_space<semaphore_mem>>)
      } else {
      }
      %dma_wait3A_779 = arith.constant 7 : i32
      %dma_wait3A_780 = arith.constant 0 : i32
      %dma_wait3A_781 = arith.constant 0 : i32
      %dma_wait3A_782 = tpu.memref_slice %arg6[%dma_wait3A_779, %dma_wait3A_780, %dma_wait3A_781] : memref<8x100x64xf32, #tpu.memory_space<vmem>> -> memref<1x100x64xf32, #tpu.memory_space<vmem>>
      %dma_wait3A_783 = tpu.memref_squeeze %dma_wait3A_782 : memref<1x100x64xf32, #tpu.memory_space<vmem>> -> memref<100x64xf32, #tpu.memory_space<vmem>>
      %dma_wait3A_784 = arith.constant 0 : i32
      %dma_wait3A_785 = tpu.memref_slice %arg5[%add3A_764, %dma_wait3A_784] : memref<64x100xi32, #tpu.memory_space<vmem>> -> memref<1x100xi32, #tpu.memory_space<vmem>>
      %dma_wait3A_786 = tpu.memref_squeeze %dma_wait3A_785 : memref<1x100xi32, #tpu.memory_space<vmem>> -> memref<100xi32, #tpu.memory_space<vmem>>
      %dma_wait3A_787 = arith.constant 0 : i32
      %dma_wait3A_788 = arith.constant 0 : i32
      %dma_wait3A_789 = tpu.memref_slice %arg3[%dma_wait3A_787, %dma_wait3A_788] : memref<100000x64xf32, #tpu.memory_space<hbm>> -> memref<100000x64xf32, #tpu.memory_space<hbm>>
      tpu.wait_indirect_dma semaphore(%arg7 : memref<!tpu.dma_semaphore, #tpu.memory_space<semaphore_mem>>) src(%dma_wait3A_789 : memref<100000x64xf32, #tpu.memory_space<hbm>>) dst(%dma_wait3A_783 : memref<100x64xf32, #tpu.memory_space<vmem>>)
      %mul3A_790 = arith.constant 2 : i32
      %mul3A_791 = arith.muli %mul3A_790, %add3A_764 : i32
      %add3A_792 = arith.addi %mul3A_2, %mul3A_791 : i32
      %add3A_793 = arith.constant 0 : i32
      %add3A_794 = arith.addi %add3A_792, %add3A_793 : i32
      %dma_start3A_795 = arith.constant 7 : i32
      %dma_start3A_796 = arith.constant 0 : i32
      %dma_start3A_797 = arith.constant 0 : i32
      %dma_start3A_798 = tpu.memref_slice %arg6[%dma_start3A_795, %dma_start3A_796, %dma_start3A_797] : memref<8x100x64xf32, #tpu.memory_space<vmem>> -> memref<1x50x64xf32, #tpu.memory_space<vmem>>
      %dma_start3A_799 = tpu.memref_squeeze %dma_start3A_798 : memref<1x50x64xf32, #tpu.memory_space<vmem>> -> memref<50x64xf32, #tpu.memory_space<vmem>>
      %dma_start3A_800 = arith.constant 0 : i32
      %dma_start3A_801 = arith.constant 0 : i32
      %dma_start3A_802 = tpu.memref_slice %arg4[%add3A_794, %dma_start3A_800, %dma_start3A_801] : memref<4096x50x64xf32, #tpu.memory_space<hbm>> -> memref<1x50x64xf32, #tpu.memory_space<hbm>>
      %dma_start3A_803 = tpu.memref_squeeze %dma_start3A_802 : memref<1x50x64xf32, #tpu.memory_space<hbm>> -> memref<50x64xf32, #tpu.memory_space<hbm>>
      %dma_start3A_804 = arith.constant 0 : i32
      %dma_start3A_805 = arith.constant 0 : i32
      %dma_start3A_806 = tpu.memref_slice %arg4[%add3A_794, %dma_start3A_804, %dma_start3A_805] : memref<4096x50x64xf32, #tpu.memory_space<hbm>> -> memref<1x50x64xf32, #tpu.memory_space<hbm>>
      %dma_start3A_807 = tpu.memref_squeeze %dma_start3A_806 : memref<1x50x64xf32, #tpu.memory_space<hbm>> -> memref<50x64xf32, #tpu.memory_space<hbm>>
      %dma_start3A_808 = arith.constant 0 : i32
      %dma_start3A_809 = arith.constant 0 : i32
      %dma_start3A_810 = tpu.memref_slice %arg6[%dma_start3A_795, %dma_start3A_808, %dma_start3A_809] : memref<8x100x64xf32, #tpu.memory_space<vmem>> -> memref<1x50x64xf32, #tpu.memory_space<vmem>>
      %dma_start3A_811 = tpu.memref_squeeze %dma_start3A_810 : memref<1x50x64xf32, #tpu.memory_space<vmem>> -> memref<50x64xf32, #tpu.memory_space<vmem>>
      tpu.enqueue_dma source(%dma_start3A_811 : memref<50x64xf32, #tpu.memory_space<vmem>>) target(%dma_start3A_807 : memref<50x64xf32, #tpu.memory_space<hbm>>) target_semaphore(%arg8 : memref<!tpu.dma_semaphore, #tpu.memory_space<semaphore_mem>>)
      %mul3A_812 = arith.constant 2 : i32
      %mul3A_813 = arith.muli %mul3A_812, %add3A_764 : i32
      %add3A_814 = arith.addi %mul3A_2, %mul3A_813 : i32
      %add3A_815 = arith.constant 1 : i32
      %add3A_816 = arith.addi %add3A_814, %add3A_815 : i32
      %dma_start3A_817 = arith.constant 7 : i32
      %dma_start3A_818 = arith.constant 50 : i32
      %dma_start3A_819 = arith.constant 0 : i32
      %dma_start3A_820 = tpu.memref_slice %arg6[%dma_start3A_817, %dma_start3A_818, %dma_start3A_819] : memref<8x100x64xf32, #tpu.memory_space<vmem>> -> memref<1x50x64xf32, #tpu.memory_space<vmem>>
      %dma_start3A_821 = tpu.memref_squeeze %dma_start3A_820 : memref<1x50x64xf32, #tpu.memory_space<vmem>> -> memref<50x64xf32, #tpu.memory_space<vmem>>
      %dma_start3A_822 = arith.constant 0 : i32
      %dma_start3A_823 = arith.constant 0 : i32
      %dma_start3A_824 = tpu.memref_slice %arg4[%add3A_816, %dma_start3A_822, %dma_start3A_823] : memref<4096x50x64xf32, #tpu.memory_space<hbm>> -> memref<1x50x64xf32, #tpu.memory_space<hbm>>
      %dma_start3A_825 = tpu.memref_squeeze %dma_start3A_824 : memref<1x50x64xf32, #tpu.memory_space<hbm>> -> memref<50x64xf32, #tpu.memory_space<hbm>>
      %dma_start3A_826 = arith.constant 0 : i32
      %dma_start3A_827 = arith.constant 0 : i32
      %dma_start3A_828 = tpu.memref_slice %arg4[%add3A_816, %dma_start3A_826, %dma_start3A_827] : memref<4096x50x64xf32, #tpu.memory_space<hbm>> -> memref<1x50x64xf32, #tpu.memory_space<hbm>>
      %dma_start3A_829 = tpu.memref_squeeze %dma_start3A_828 : memref<1x50x64xf32, #tpu.memory_space<hbm>> -> memref<50x64xf32, #tpu.memory_space<hbm>>
      %dma_start3A_830 = arith.constant 50 : i32
      %dma_start3A_831 = arith.constant 0 : i32
      %dma_start3A_832 = tpu.memref_slice %arg6[%dma_start3A_817, %dma_start3A_830, %dma_start3A_831] : memref<8x100x64xf32, #tpu.memory_space<vmem>> -> memref<1x50x64xf32, #tpu.memory_space<vmem>>
      %dma_start3A_833 = tpu.memref_squeeze %dma_start3A_832 : memref<1x50x64xf32, #tpu.memory_space<vmem>> -> memref<50x64xf32, #tpu.memory_space<vmem>>
      tpu.enqueue_dma source(%dma_start3A_833 : memref<50x64xf32, #tpu.memory_space<vmem>>) target(%dma_start3A_829 : memref<50x64xf32, #tpu.memory_space<hbm>>) target_semaphore(%arg8 : memref<!tpu.dma_semaphore, #tpu.memory_space<semaphore_mem>>)
    }
    %scan3A_44 = arith.constant 8 : i32
    %add3A_45 = arith.constant 118 : i32
    %add3A_46 = arith.addi %mul3A_2, %add3A_45 : i32
    %add3A_47 = arith.constant 0 : i32
    %add3A_48 = arith.addi %add3A_46, %add3A_47 : i32
    %dma_wait3A = arith.constant 3 : i32
    %dma_wait3A_49 = arith.constant 0 : i32
    %dma_wait3A_50 = arith.constant 0 : i32
    %dma_wait3A_51 = tpu.memref_slice %arg6[%dma_wait3A, %dma_wait3A_49, %dma_wait3A_50] : memref<8x100x64xf32, #tpu.memory_space<vmem>> -> memref<1x50x64xf32, #tpu.memory_space<vmem>>
    %dma_wait3A_52 = tpu.memref_squeeze %dma_wait3A_51 : memref<1x50x64xf32, #tpu.memory_space<vmem>> -> memref<50x64xf32, #tpu.memory_space<vmem>>
    %dma_wait3A_53 = arith.constant 0 : i32
    %dma_wait3A_54 = arith.constant 0 : i32
    %dma_wait3A_55 = tpu.memref_slice %arg4[%add3A_48, %dma_wait3A_53, %dma_wait3A_54] : memref<4096x50x64xf32, #tpu.memory_space<hbm>> -> memref<1x50x64xf32, #tpu.memory_space<hbm>>
    %dma_wait3A_56 = tpu.memref_squeeze %dma_wait3A_55 : memref<1x50x64xf32, #tpu.memory_space<hbm>> -> memref<50x64xf32, #tpu.memory_space<hbm>>
    %dma_wait3A_57 = arith.constant 0 : i32
    %dma_wait3A_58 = arith.constant 0 : i32
    %dma_wait3A_59 = tpu.memref_slice %arg4[%add3A_48, %dma_wait3A_57, %dma_wait3A_58] : memref<4096x50x64xf32, #tpu.memory_space<hbm>> -> memref<1x50x64xf32, #tpu.memory_space<hbm>>
    %dma_wait3A_60 = tpu.memref_squeeze %dma_wait3A_59 : memref<1x50x64xf32, #tpu.memory_space<hbm>> -> memref<50x64xf32, #tpu.memory_space<hbm>>
    %dma_wait3A_61 = arith.constant 0 : i32
    %dma_wait3A_62 = arith.constant 0 : i32
    %dma_wait3A_63 = tpu.memref_slice %arg6[%dma_wait3A, %dma_wait3A_61, %dma_wait3A_62] : memref<8x100x64xf32, #tpu.memory_space<vmem>> -> memref<1x50x64xf32, #tpu.memory_space<vmem>>
    %dma_wait3A_64 = tpu.memref_squeeze %dma_wait3A_63 : memref<1x50x64xf32, #tpu.memory_space<vmem>> -> memref<50x64xf32, #tpu.memory_space<vmem>>
    tpu.wait_dma2 semaphore(%arg8 : memref<!tpu.dma_semaphore, #tpu.memory_space<semaphore_mem>>) src(%dma_wait3A_64 : memref<50x64xf32, #tpu.memory_space<vmem>>) dst(%dma_wait3A_60 : memref<50x64xf32, #tpu.memory_space<hbm>>)
    %add3A_65 = arith.constant 118 : i32
    %add3A_66 = arith.addi %mul3A_2, %add3A_65 : i32
    %add3A_67 = arith.constant 1 : i32
    %add3A_68 = arith.addi %add3A_66, %add3A_67 : i32
    %dma_wait3A_69 = arith.constant 3 : i32
    %dma_wait3A_70 = arith.constant 50 : i32
    %dma_wait3A_71 = arith.constant 0 : i32
    %dma_wait3A_72 = tpu.memref_slice %arg6[%dma_wait3A_69, %dma_wait3A_70, %dma_wait3A_71] : memref<8x100x64xf32, #tpu.memory_space<vmem>> -> memref<1x50x64xf32, #tpu.memory_space<vmem>>
    %dma_wait3A_73 = tpu.memref_squeeze %dma_wait3A_72 : memref<1x50x64xf32, #tpu.memory_space<vmem>> -> memref<50x64xf32, #tpu.memory_space<vmem>>
    %dma_wait3A_74 = arith.constant 0 : i32
    %dma_wait3A_75 = arith.constant 0 : i32
    %dma_wait3A_76 = tpu.memref_slice %arg4[%add3A_68, %dma_wait3A_74, %dma_wait3A_75] : memref<4096x50x64xf32, #tpu.memory_space<hbm>> -> memref<1x50x64xf32, #tpu.memory_space<hbm>>
    %dma_wait3A_77 = tpu.memref_squeeze %dma_wait3A_76 : memref<1x50x64xf32, #tpu.memory_space<hbm>> -> memref<50x64xf32, #tpu.memory_space<hbm>>
    %dma_wait3A_78 = arith.constant 0 : i32
    %dma_wait3A_79 = arith.constant 0 : i32
    %dma_wait3A_80 = tpu.memref_slice %arg4[%add3A_68, %dma_wait3A_78, %dma_wait3A_79] : memref<4096x50x64xf32, #tpu.memory_space<hbm>> -> memref<1x50x64xf32, #tpu.memory_space<hbm>>
    %dma_wait3A_81 = tpu.memref_squeeze %dma_wait3A_80 : memref<1x50x64xf32, #tpu.memory_space<hbm>> -> memref<50x64xf32, #tpu.memory_space<hbm>>
    %dma_wait3A_82 = arith.constant 50 : i32
    %dma_wait3A_83 = arith.constant 0 : i32
    %dma_wait3A_84 = tpu.memref_slice %arg6[%dma_wait3A_69, %dma_wait3A_82, %dma_wait3A_83] : memref<8x100x64xf32, #tpu.memory_space<vmem>> -> memref<1x50x64xf32, #tpu.memory_space<vmem>>
    %dma_wait3A_85 = tpu.memref_squeeze %dma_wait3A_84 : memref<1x50x64xf32, #tpu.memory_space<vmem>> -> memref<50x64xf32, #tpu.memory_space<vmem>>
    tpu.wait_dma2 semaphore(%arg8 : memref<!tpu.dma_semaphore, #tpu.memory_space<semaphore_mem>>) src(%dma_wait3A_85 : memref<50x64xf32, #tpu.memory_space<vmem>>) dst(%dma_wait3A_81 : memref<50x64xf32, #tpu.memory_space<hbm>>)
    %add3A_86 = arith.constant 120 : i32
    %add3A_87 = arith.addi %mul3A_2, %add3A_86 : i32
    %add3A_88 = arith.constant 0 : i32
    %add3A_89 = arith.addi %add3A_87, %add3A_88 : i32
    %dma_wait3A_90 = arith.constant 4 : i32
    %dma_wait3A_91 = arith.constant 0 : i32
    %dma_wait3A_92 = arith.constant 0 : i32
    %dma_wait3A_93 = tpu.memref_slice %arg6[%dma_wait3A_90, %dma_wait3A_91, %dma_wait3A_92] : memref<8x100x64xf32, #tpu.memory_space<vmem>> -> memref<1x50x64xf32, #tpu.memory_space<vmem>>
    %dma_wait3A_94 = tpu.memref_squeeze %dma_wait3A_93 : memref<1x50x64xf32, #tpu.memory_space<vmem>> -> memref<50x64xf32, #tpu.memory_space<vmem>>
    %dma_wait3A_95 = arith.constant 0 : i32
    %dma_wait3A_96 = arith.constant 0 : i32
    %dma_wait3A_97 = tpu.memref_slice %arg4[%add3A_89, %dma_wait3A_95, %dma_wait3A_96] : memref<4096x50x64xf32, #tpu.memory_space<hbm>> -> memref<1x50x64xf32, #tpu.memory_space<hbm>>
    %dma_wait3A_98 = tpu.memref_squeeze %dma_wait3A_97 : memref<1x50x64xf32, #tpu.memory_space<hbm>> -> memref<50x64xf32, #tpu.memory_space<hbm>>
    %dma_wait3A_99 = arith.constant 0 : i32
    %dma_wait3A_100 = arith.constant 0 : i32
    %dma_wait3A_101 = tpu.memref_slice %arg4[%add3A_89, %dma_wait3A_99, %dma_wait3A_100] : memref<4096x50x64xf32, #tpu.memory_space<hbm>> -> memref<1x50x64xf32, #tpu.memory_space<hbm>>
    %dma_wait3A_102 = tpu.memref_squeeze %dma_wait3A_101 : memref<1x50x64xf32, #tpu.memory_space<hbm>> -> memref<50x64xf32, #tpu.memory_space<hbm>>
    %dma_wait3A_103 = arith.constant 0 : i32
    %dma_wait3A_104 = arith.constant 0 : i32
    %dma_wait3A_105 = tpu.memref_slice %arg6[%dma_wait3A_90, %dma_wait3A_103, %dma_wait3A_104] : memref<8x100x64xf32, #tpu.memory_space<vmem>> -> memref<1x50x64xf32, #tpu.memory_space<vmem>>
    %dma_wait3A_106 = tpu.memref_squeeze %dma_wait3A_105 : memref<1x50x64xf32, #tpu.memory_space<vmem>> -> memref<50x64xf32, #tpu.memory_space<vmem>>
    tpu.wait_dma2 semaphore(%arg8 : memref<!tpu.dma_semaphore, #tpu.memory_space<semaphore_mem>>) src(%dma_wait3A_106 : memref<50x64xf32, #tpu.memory_space<vmem>>) dst(%dma_wait3A_102 : memref<50x64xf32, #tpu.memory_space<hbm>>)
    %add3A_107 = arith.constant 120 : i32
    %add3A_108 = arith.addi %mul3A_2, %add3A_107 : i32
    %add3A_109 = arith.constant 1 : i32
    %add3A_110 = arith.addi %add3A_108, %add3A_109 : i32
    %dma_wait3A_111 = arith.constant 4 : i32
    %dma_wait3A_112 = arith.constant 50 : i32
    %dma_wait3A_113 = arith.constant 0 : i32
    %dma_wait3A_114 = tpu.memref_slice %arg6[%dma_wait3A_111, %dma_wait3A_112, %dma_wait3A_113] : memref<8x100x64xf32, #tpu.memory_space<vmem>> -> memref<1x50x64xf32, #tpu.memory_space<vmem>>
    %dma_wait3A_115 = tpu.memref_squeeze %dma_wait3A_114 : memref<1x50x64xf32, #tpu.memory_space<vmem>> -> memref<50x64xf32, #tpu.memory_space<vmem>>
    %dma_wait3A_116 = arith.constant 0 : i32
    %dma_wait3A_117 = arith.constant 0 : i32
    %dma_wait3A_118 = tpu.memref_slice %arg4[%add3A_110, %dma_wait3A_116, %dma_wait3A_117] : memref<4096x50x64xf32, #tpu.memory_space<hbm>> -> memref<1x50x64xf32, #tpu.memory_space<hbm>>
    %dma_wait3A_119 = tpu.memref_squeeze %dma_wait3A_118 : memref<1x50x64xf32, #tpu.memory_space<hbm>> -> memref<50x64xf32, #tpu.memory_space<hbm>>
    %dma_wait3A_120 = arith.constant 0 : i32
    %dma_wait3A_121 = arith.constant 0 : i32
    %dma_wait3A_122 = tpu.memref_slice %arg4[%add3A_110, %dma_wait3A_120, %dma_wait3A_121] : memref<4096x50x64xf32, #tpu.memory_space<hbm>> -> memref<1x50x64xf32, #tpu.memory_space<hbm>>
    %dma_wait3A_123 = tpu.memref_squeeze %dma_wait3A_122 : memref<1x50x64xf32, #tpu.memory_space<hbm>> -> memref<50x64xf32, #tpu.memory_space<hbm>>
    %dma_wait3A_124 = arith.constant 50 : i32
    %dma_wait3A_125 = arith.constant 0 : i32
    %dma_wait3A_126 = tpu.memref_slice %arg6[%dma_wait3A_111, %dma_wait3A_124, %dma_wait3A_125] : memref<8x100x64xf32, #tpu.memory_space<vmem>> -> memref<1x50x64xf32, #tpu.memory_space<vmem>>
    %dma_wait3A_127 = tpu.memref_squeeze %dma_wait3A_126 : memref<1x50x64xf32, #tpu.memory_space<vmem>> -> memref<50x64xf32, #tpu.memory_space<vmem>>
    tpu.wait_dma2 semaphore(%arg8 : memref<!tpu.dma_semaphore, #tpu.memory_space<semaphore_mem>>) src(%dma_wait3A_127 : memref<50x64xf32, #tpu.memory_space<vmem>>) dst(%dma_wait3A_123 : memref<50x64xf32, #tpu.memory_space<hbm>>)
    %add3A_128 = arith.constant 122 : i32
    %add3A_129 = arith.addi %mul3A_2, %add3A_128 : i32
    %add3A_130 = arith.constant 0 : i32
    %add3A_131 = arith.addi %add3A_129, %add3A_130 : i32
    %dma_wait3A_132 = arith.constant 5 : i32
    %dma_wait3A_133 = arith.constant 0 : i32
    %dma_wait3A_134 = arith.constant 0 : i32
    %dma_wait3A_135 = tpu.memref_slice %arg6[%dma_wait3A_132, %dma_wait3A_133, %dma_wait3A_134] : memref<8x100x64xf32, #tpu.memory_space<vmem>> -> memref<1x50x64xf32, #tpu.memory_space<vmem>>
    %dma_wait3A_136 = tpu.memref_squeeze %dma_wait3A_135 : memref<1x50x64xf32, #tpu.memory_space<vmem>> -> memref<50x64xf32, #tpu.memory_space<vmem>>
    %dma_wait3A_137 = arith.constant 0 : i32
    %dma_wait3A_138 = arith.constant 0 : i32
    %dma_wait3A_139 = tpu.memref_slice %arg4[%add3A_131, %dma_wait3A_137, %dma_wait3A_138] : memref<4096x50x64xf32, #tpu.memory_space<hbm>> -> memref<1x50x64xf32, #tpu.memory_space<hbm>>
    %dma_wait3A_140 = tpu.memref_squeeze %dma_wait3A_139 : memref<1x50x64xf32, #tpu.memory_space<hbm>> -> memref<50x64xf32, #tpu.memory_space<hbm>>
    %dma_wait3A_141 = arith.constant 0 : i32
    %dma_wait3A_142 = arith.constant 0 : i32
    %dma_wait3A_143 = tpu.memref_slice %arg4[%add3A_131, %dma_wait3A_141, %dma_wait3A_142] : memref<4096x50x64xf32, #tpu.memory_space<hbm>> -> memref<1x50x64xf32, #tpu.memory_space<hbm>>
    %dma_wait3A_144 = tpu.memref_squeeze %dma_wait3A_143 : memref<1x50x64xf32, #tpu.memory_space<hbm>> -> memref<50x64xf32, #tpu.memory_space<hbm>>
    %dma_wait3A_145 = arith.constant 0 : i32
    %dma_wait3A_146 = arith.constant 0 : i32
    %dma_wait3A_147 = tpu.memref_slice %arg6[%dma_wait3A_132, %dma_wait3A_145, %dma_wait3A_146] : memref<8x100x64xf32, #tpu.memory_space<vmem>> -> memref<1x50x64xf32, #tpu.memory_space<vmem>>
    %dma_wait3A_148 = tpu.memref_squeeze %dma_wait3A_147 : memref<1x50x64xf32, #tpu.memory_space<vmem>> -> memref<50x64xf32, #tpu.memory_space<vmem>>
    tpu.wait_dma2 semaphore(%arg8 : memref<!tpu.dma_semaphore, #tpu.memory_space<semaphore_mem>>) src(%dma_wait3A_148 : memref<50x64xf32, #tpu.memory_space<vmem>>) dst(%dma_wait3A_144 : memref<50x64xf32, #tpu.memory_space<hbm>>)
    %add3A_149 = arith.constant 122 : i32
    %add3A_150 = arith.addi %mul3A_2, %add3A_149 : i32
    %add3A_151 = arith.constant 1 : i32
    %add3A_152 = arith.addi %add3A_150, %add3A_151 : i32
    %dma_wait3A_153 = arith.constant 5 : i32
    %dma_wait3A_154 = arith.constant 50 : i32
    %dma_wait3A_155 = arith.constant 0 : i32
    %dma_wait3A_156 = tpu.memref_slice %arg6[%dma_wait3A_153, %dma_wait3A_154, %dma_wait3A_155] : memref<8x100x64xf32, #tpu.memory_space<vmem>> -> memref<1x50x64xf32, #tpu.memory_space<vmem>>
    %dma_wait3A_157 = tpu.memref_squeeze %dma_wait3A_156 : memref<1x50x64xf32, #tpu.memory_space<vmem>> -> memref<50x64xf32, #tpu.memory_space<vmem>>
    %dma_wait3A_158 = arith.constant 0 : i32
    %dma_wait3A_159 = arith.constant 0 : i32
    %dma_wait3A_160 = tpu.memref_slice %arg4[%add3A_152, %dma_wait3A_158, %dma_wait3A_159] : memref<4096x50x64xf32, #tpu.memory_space<hbm>> -> memref<1x50x64xf32, #tpu.memory_space<hbm>>
    %dma_wait3A_161 = tpu.memref_squeeze %dma_wait3A_160 : memref<1x50x64xf32, #tpu.memory_space<hbm>> -> memref<50x64xf32, #tpu.memory_space<hbm>>
    %dma_wait3A_162 = arith.constant 0 : i32
    %dma_wait3A_163 = arith.constant 0 : i32
    %dma_wait3A_164 = tpu.memref_slice %arg4[%add3A_152, %dma_wait3A_162, %dma_wait3A_163] : memref<4096x50x64xf32, #tpu.memory_space<hbm>> -> memref<1x50x64xf32, #tpu.memory_space<hbm>>
    %dma_wait3A_165 = tpu.memref_squeeze %dma_wait3A_164 : memref<1x50x64xf32, #tpu.memory_space<hbm>> -> memref<50x64xf32, #tpu.memory_space<hbm>>
    %dma_wait3A_166 = arith.constant 50 : i32
    %dma_wait3A_167 = arith.constant 0 : i32
    %dma_wait3A_168 = tpu.memref_slice %arg6[%dma_wait3A_153, %dma_wait3A_166, %dma_wait3A_167] : memref<8x100x64xf32, #tpu.memory_space<vmem>> -> memref<1x50x64xf32, #tpu.memory_space<vmem>>
    %dma_wait3A_169 = tpu.memref_squeeze %dma_wait3A_168 : memref<1x50x64xf32, #tpu.memory_space<vmem>> -> memref<50x64xf32, #tpu.memory_space<vmem>>
    tpu.wait_dma2 semaphore(%arg8 : memref<!tpu.dma_semaphore, #tpu.memory_space<semaphore_mem>>) src(%dma_wait3A_169 : memref<50x64xf32, #tpu.memory_space<vmem>>) dst(%dma_wait3A_165 : memref<50x64xf32, #tpu.memory_space<hbm>>)
    %add3A_170 = arith.constant 124 : i32
    %add3A_171 = arith.addi %mul3A_2, %add3A_170 : i32
    %add3A_172 = arith.constant 0 : i32
    %add3A_173 = arith.addi %add3A_171, %add3A_172 : i32
    %dma_wait3A_174 = arith.constant 6 : i32
    %dma_wait3A_175 = arith.constant 0 : i32
    %dma_wait3A_176 = arith.constant 0 : i32
    %dma_wait3A_177 = tpu.memref_slice %arg6[%dma_wait3A_174, %dma_wait3A_175, %dma_wait3A_176] : memref<8x100x64xf32, #tpu.memory_space<vmem>> -> memref<1x50x64xf32, #tpu.memory_space<vmem>>
    %dma_wait3A_178 = tpu.memref_squeeze %dma_wait3A_177 : memref<1x50x64xf32, #tpu.memory_space<vmem>> -> memref<50x64xf32, #tpu.memory_space<vmem>>
    %dma_wait3A_179 = arith.constant 0 : i32
    %dma_wait3A_180 = arith.constant 0 : i32
    %dma_wait3A_181 = tpu.memref_slice %arg4[%add3A_173, %dma_wait3A_179, %dma_wait3A_180] : memref<4096x50x64xf32, #tpu.memory_space<hbm>> -> memref<1x50x64xf32, #tpu.memory_space<hbm>>
    %dma_wait3A_182 = tpu.memref_squeeze %dma_wait3A_181 : memref<1x50x64xf32, #tpu.memory_space<hbm>> -> memref<50x64xf32, #tpu.memory_space<hbm>>
    %dma_wait3A_183 = arith.constant 0 : i32
    %dma_wait3A_184 = arith.constant 0 : i32
    %dma_wait3A_185 = tpu.memref_slice %arg4[%add3A_173, %dma_wait3A_183, %dma_wait3A_184] : memref<4096x50x64xf32, #tpu.memory_space<hbm>> -> memref<1x50x64xf32, #tpu.memory_space<hbm>>
    %dma_wait3A_186 = tpu.memref_squeeze %dma_wait3A_185 : memref<1x50x64xf32, #tpu.memory_space<hbm>> -> memref<50x64xf32, #tpu.memory_space<hbm>>
    %dma_wait3A_187 = arith.constant 0 : i32
    %dma_wait3A_188 = arith.constant 0 : i32
    %dma_wait3A_189 = tpu.memref_slice %arg6[%dma_wait3A_174, %dma_wait3A_187, %dma_wait3A_188] : memref<8x100x64xf32, #tpu.memory_space<vmem>> -> memref<1x50x64xf32, #tpu.memory_space<vmem>>
    %dma_wait3A_190 = tpu.memref_squeeze %dma_wait3A_189 : memref<1x50x64xf32, #tpu.memory_space<vmem>> -> memref<50x64xf32, #tpu.memory_space<vmem>>
    tpu.wait_dma2 semaphore(%arg8 : memref<!tpu.dma_semaphore, #tpu.memory_space<semaphore_mem>>) src(%dma_wait3A_190 : memref<50x64xf32, #tpu.memory_space<vmem>>) dst(%dma_wait3A_186 : memref<50x64xf32, #tpu.memory_space<hbm>>)
    %add3A_191 = arith.constant 124 : i32
    %add3A_192 = arith.addi %mul3A_2, %add3A_191 : i32
    %add3A_193 = arith.constant 1 : i32
    %add3A_194 = arith.addi %add3A_192, %add3A_193 : i32
    %dma_wait3A_195 = arith.constant 6 : i32
    %dma_wait3A_196 = arith.constant 50 : i32
    %dma_wait3A_197 = arith.constant 0 : i32
    %dma_wait3A_198 = tpu.memref_slice %arg6[%dma_wait3A_195, %dma_wait3A_196, %dma_wait3A_197] : memref<8x100x64xf32, #tpu.memory_space<vmem>> -> memref<1x50x64xf32, #tpu.memory_space<vmem>>
    %dma_wait3A_199 = tpu.memref_squeeze %dma_wait3A_198 : memref<1x50x64xf32, #tpu.memory_space<vmem>> -> memref<50x64xf32, #tpu.memory_space<vmem>>
    %dma_wait3A_200 = arith.constant 0 : i32
    %dma_wait3A_201 = arith.constant 0 : i32
    %dma_wait3A_202 = tpu.memref_slice %arg4[%add3A_194, %dma_wait3A_200, %dma_wait3A_201] : memref<4096x50x64xf32, #tpu.memory_space<hbm>> -> memref<1x50x64xf32, #tpu.memory_space<hbm>>
    %dma_wait3A_203 = tpu.memref_squeeze %dma_wait3A_202 : memref<1x50x64xf32, #tpu.memory_space<hbm>> -> memref<50x64xf32, #tpu.memory_space<hbm>>
    %dma_wait3A_204 = arith.constant 0 : i32
    %dma_wait3A_205 = arith.constant 0 : i32
    %dma_wait3A_206 = tpu.memref_slice %arg4[%add3A_194, %dma_wait3A_204, %dma_wait3A_205] : memref<4096x50x64xf32, #tpu.memory_space<hbm>> -> memref<1x50x64xf32, #tpu.memory_space<hbm>>
    %dma_wait3A_207 = tpu.memref_squeeze %dma_wait3A_206 : memref<1x50x64xf32, #tpu.memory_space<hbm>> -> memref<50x64xf32, #tpu.memory_space<hbm>>
    %dma_wait3A_208 = arith.constant 50 : i32
    %dma_wait3A_209 = arith.constant 0 : i32
    %dma_wait3A_210 = tpu.memref_slice %arg6[%dma_wait3A_195, %dma_wait3A_208, %dma_wait3A_209] : memref<8x100x64xf32, #tpu.memory_space<vmem>> -> memref<1x50x64xf32, #tpu.memory_space<vmem>>
    %dma_wait3A_211 = tpu.memref_squeeze %dma_wait3A_210 : memref<1x50x64xf32, #tpu.memory_space<vmem>> -> memref<50x64xf32, #tpu.memory_space<vmem>>
    tpu.wait_dma2 semaphore(%arg8 : memref<!tpu.dma_semaphore, #tpu.memory_space<semaphore_mem>>) src(%dma_wait3A_211 : memref<50x64xf32, #tpu.memory_space<vmem>>) dst(%dma_wait3A_207 : memref<50x64xf32, #tpu.memory_space<hbm>>)
    %add3A_212 = arith.constant 126 : i32
    %add3A_213 = arith.addi %mul3A_2, %add3A_212 : i32
    %add3A_214 = arith.constant 0 : i32
    %add3A_215 = arith.addi %add3A_213, %add3A_214 : i32
    %dma_wait3A_216 = arith.constant 7 : i32
    %dma_wait3A_217 = arith.constant 0 : i32
    %dma_wait3A_218 = arith.constant 0 : i32
    %dma_wait3A_219 = tpu.memref_slice %arg6[%dma_wait3A_216, %dma_wait3A_217, %dma_wait3A_218] : memref<8x100x64xf32, #tpu.memory_space<vmem>> -> memref<1x50x64xf32, #tpu.memory_space<vmem>>
    %dma_wait3A_220 = tpu.memref_squeeze %dma_wait3A_219 : memref<1x50x64xf32, #tpu.memory_space<vmem>> -> memref<50x64xf32, #tpu.memory_space<vmem>>
    %dma_wait3A_221 = arith.constant 0 : i32
    %dma_wait3A_222 = arith.constant 0 : i32
    %dma_wait3A_223 = tpu.memref_slice %arg4[%add3A_215, %dma_wait3A_221, %dma_wait3A_222] : memref<4096x50x64xf32, #tpu.memory_space<hbm>> -> memref<1x50x64xf32, #tpu.memory_space<hbm>>
    %dma_wait3A_224 = tpu.memref_squeeze %dma_wait3A_223 : memref<1x50x64xf32, #tpu.memory_space<hbm>> -> memref<50x64xf32, #tpu.memory_space<hbm>>
    %dma_wait3A_225 = arith.constant 0 : i32
    %dma_wait3A_226 = arith.constant 0 : i32
    %dma_wait3A_227 = tpu.memref_slice %arg4[%add3A_215, %dma_wait3A_225, %dma_wait3A_226] : memref<4096x50x64xf32, #tpu.memory_space<hbm>> -> memref<1x50x64xf32, #tpu.memory_space<hbm>>
    %dma_wait3A_228 = tpu.memref_squeeze %dma_wait3A_227 : memref<1x50x64xf32, #tpu.memory_space<hbm>> -> memref<50x64xf32, #tpu.memory_space<hbm>>
    %dma_wait3A_229 = arith.constant 0 : i32
    %dma_wait3A_230 = arith.constant 0 : i32
    %dma_wait3A_231 = tpu.memref_slice %arg6[%dma_wait3A_216, %dma_wait3A_229, %dma_wait3A_230] : memref<8x100x64xf32, #tpu.memory_space<vmem>> -> memref<1x50x64xf32, #tpu.memory_space<vmem>>
    %dma_wait3A_232 = tpu.memref_squeeze %dma_wait3A_231 : memref<1x50x64xf32, #tpu.memory_space<vmem>> -> memref<50x64xf32, #tpu.memory_space<vmem>>
    tpu.wait_dma2 semaphore(%arg8 : memref<!tpu.dma_semaphore, #tpu.memory_space<semaphore_mem>>) src(%dma_wait3A_232 : memref<50x64xf32, #tpu.memory_space<vmem>>) dst(%dma_wait3A_228 : memref<50x64xf32, #tpu.memory_space<hbm>>)
    %add3A_233 = arith.constant 126 : i32
    %add3A_234 = arith.addi %mul3A_2, %add3A_233 : i32
    %add3A_235 = arith.constant 1 : i32
    %add3A_236 = arith.addi %add3A_234, %add3A_235 : i32
    %dma_wait3A_237 = arith.constant 7 : i32
    %dma_wait3A_238 = arith.constant 50 : i32
    %dma_wait3A_239 = arith.constant 0 : i32
    %dma_wait3A_240 = tpu.memref_slice %arg6[%dma_wait3A_237, %dma_wait3A_238, %dma_wait3A_239] : memref<8x100x64xf32, #tpu.memory_space<vmem>> -> memref<1x50x64xf32, #tpu.memory_space<vmem>>
    %dma_wait3A_241 = tpu.memref_squeeze %dma_wait3A_240 : memref<1x50x64xf32, #tpu.memory_space<vmem>> -> memref<50x64xf32, #tpu.memory_space<vmem>>
    %dma_wait3A_242 = arith.constant 0 : i32
    %dma_wait3A_243 = arith.constant 0 : i32
    %dma_wait3A_244 = tpu.memref_slice %arg4[%add3A_236, %dma_wait3A_242, %dma_wait3A_243] : memref<4096x50x64xf32, #tpu.memory_space<hbm>> -> memref<1x50x64xf32, #tpu.memory_space<hbm>>
    %dma_wait3A_245 = tpu.memref_squeeze %dma_wait3A_244 : memref<1x50x64xf32, #tpu.memory_space<hbm>> -> memref<50x64xf32, #tpu.memory_space<hbm>>
    %dma_wait3A_246 = arith.constant 0 : i32
    %dma_wait3A_247 = arith.constant 0 : i32
    %dma_wait3A_248 = tpu.memref_slice %arg4[%add3A_236, %dma_wait3A_246, %dma_wait3A_247] : memref<4096x50x64xf32, #tpu.memory_space<hbm>> -> memref<1x50x64xf32, #tpu.memory_space<hbm>>
    %dma_wait3A_249 = tpu.memref_squeeze %dma_wait3A_248 : memref<1x50x64xf32, #tpu.memory_space<hbm>> -> memref<50x64xf32, #tpu.memory_space<hbm>>
    %dma_wait3A_250 = arith.constant 50 : i32
    %dma_wait3A_251 = arith.constant 0 : i32
    %dma_wait3A_252 = tpu.memref_slice %arg6[%dma_wait3A_237, %dma_wait3A_250, %dma_wait3A_251] : memref<8x100x64xf32, #tpu.memory_space<vmem>> -> memref<1x50x64xf32, #tpu.memory_space<vmem>>
    %dma_wait3A_253 = tpu.memref_squeeze %dma_wait3A_252 : memref<1x50x64xf32, #tpu.memory_space<vmem>> -> memref<50x64xf32, #tpu.memory_space<vmem>>
    tpu.wait_dma2 semaphore(%arg8 : memref<!tpu.dma_semaphore, #tpu.memory_space<semaphore_mem>>) src(%dma_wait3A_253 : memref<50x64xf32, #tpu.memory_space<vmem>>) dst(%dma_wait3A_249 : memref<50x64xf32, #tpu.memory_space<hbm>>)
    return
  }
}

</mosaic_0001>

<sc_bundles>
// kernel: _sc_gather.3.cloned.1.call-start
scs
__scs_entry_jumppad:
0x0: {  	(pc) =	sbr.rel $0x88, $3  }
0x1: {  	(tag) =	ssettag $0x0;
	lr =	simm.s32 $0x1  }
0x2: {  	[smem:$0x3F9F] =	sst lr;
	_ =	strace $0xD0000000  }
0x3: {  	_ = 	snop  }
0x4: {  	_ = 	snop  }
0x5: {  	_ = 	snop  }
0x6: {  	_ = 	snop  }
0x7: {  	_ = 	snop  }
__scs_overlays_trampoline_lowered:
0x8: {  	[smem:$0x3FAE] =	sst s0  }
0x9: {  	[smem:$0x3FAF] =	sst s1  }
0xa: {  	[smem:$0x3FB0] =	sst s2  }
0xb: {  	[smem:$0x3FB1] =	sst s3  }
0xc: {  	[smem:$0x3FB2] =	sst s4  }
0xd: {  	[smem:$0x3FB3] =	sst s5  }
0xe: {  	[smem:$0x3FB4] =	sst s6  }
0xf: {  	[smem:$0x3FB5] =	sst s7  }
0x10: {  	[smem:$0x3FB6] =	sst s8  }
0x11: {  	[smem:$0x3FB7] =	sst s9;
	s0 =	simm.s32 @!p0 $0x0  }
0x12: {  	s1 =	sld [smem:$0x3F9D];
	s0 =	simm.s32 @p0 $0x1  }
0x13: {  	[smem:$0x3FB8] =	sst s0;
	s0 =	simm.s32 @!p1 $0x0  }
0x14: {  	s2 =	sld [smem:$0x3F9C];
	s0 =	simm.s32 @p1 $0x1  }
0x15: {  	[smem:$0x3FB9] =	sst s0;
	s0 =	simm.s32 @!p2 $0x0  }
0x16: {  	s3 =	sld [smem:$0x3FDB];
	s0 =	simm.s32 @p2 $0x1  }
0x17: {  	s4 =	simm.s32 $0x1BF5;
	[smem:$0x3FBB] =	sst s0  }
0x18: {  	s0 =	sld [smem:$0x3F9E];
	_ =	swait.ge [sflag:s4], $0x0  }
0x19: {  	s7 =	sld [smem:$0x3F9F]  }
0x1a: {  	s8 =	sadd.s32 $0xFFFFE003, lr  }
0x1b: {  	s9 =	sadd.s32 $0xFFFFFEF7, lr;
	s5 =	simm.s32 $0xFFFFFFFF;
	p2 =	slt.u32 s8, $0xFFFFF086  }
0x1c: {  	p1 =	slt.u32 s9, $0xF7A;
	s5 =	simm.s32 @!p2 $0x0  }
0x1d: {  	s5 =	simm.s32 @p1 $0x1;
	p0 =	seq.s32 s7, s2  }
0x1e: {  	s7 =	smul.u32 @!p0 $0xF7A, s2;
	p2 =	seq.s32 @!p0 s5, $0x0  }
0x1f: {  	s9 =	smul.u32 $0xF7A, s1;
	s8 =	simm.s32 @!p0 $0x1BF5;
	p2 =	por !p2, p0  }
0x20: {  	[sflag:s8] =	ssyncset.s32 @!p0 $0xFFFFF086;
	s6 =	sadd.s32 @!p0 s3, s7;
	s7 =	simm.s32 @!p0 $0x108  }
0x21: {  	s3 =	sadd.s32 s3, s9;
	s6 =	sadd.s32 @!p0 $0x88, s6;
	s7 =	simm.s32 @p2 $0x1082  }
0x22: {  	[simem:s7], [sflag:s8] =	dma.local @!p0 [hbm:s6], $0xF7A  }
0x23: {  	s9 =	sor.u32 $0xD0000000, s2;
	s6 =	simm.s32 $0x108;
	_ =	swait.ge @!p0 [sflag:s8], $0x0  }
0x24: {  	s3 =	sadd.s32 $0x88, s3;
	s6 =	simm.s32 @!p1 $0x1082;
	[sflag:s4] =	ssyncset.s32 $0xFFFFF086  }
0x25: {  	[simem:s6], [sflag:s4] =	dma.local [hbm:s3], $0xF7A  }
0x26: {  	[smem:$0x3F9F] =	sst s1;
	(tag) =	ssettag s2;
	_ =	strace s9  }
0x27: {  	s1 =	sld [smem:$0x3FAF]  }
0x28: {  	s2 =	sld [smem:$0x3FB0]  }
0x29: {  	s4 =	sld [smem:$0x3FB2]  }
0x2a: {  	p0 =	seq.s32 s5, $0x0;
	s5 =	sld [smem:$0x3FB3]  }
0x2b: {  	s6 =	sld [smem:$0x3FB4]  }
0x2c: {  	s7 =	sld [smem:$0x3FB5]  }
0x2d: {  	s3 =	simm.s32 $0x108;
	s8 =	sld [smem:$0x3FB6]  }
0x2e: {  	s3 =	simm.s32 @!p0 $0x1082;
	s9 =	sld [smem:$0x3FB7]  }
0x2f: {  	lr =	sadd.s32 s0, s3;
	s0 =	sld [smem:$0x3FAE]  }
0x30: {  	s3 =	sld [smem:$0x3FB1]  }
0x31: {  	[smem:$0x3FBA] =	sst s10  }
0x32: {  	s10 =	sld [smem:$0x3FB8];
	_ =	sdelay $0x3  }
0x33: {  	p0 =	seq.s32 s10, $0x1;
	s10 =	sld [smem:$0x3FBA];
	_ =	sdelay $0x3  }
0x34: {  	[smem:$0x3FBA] =	sst s10  }
0x35: {  	s10 =	sld [smem:$0x3FB9];
	_ =	sdelay $0x3  }
0x36: {  	p1 =	seq.s32 s10, $0x1;
	s10 =	sld [smem:$0x3FBA];
	_ =	sdelay $0x3  }
0x37: {  	[smem:$0x3FBA] =	sst s10  }
0x38: {  	s10 =	sld [smem:$0x3FBB]  }
0x39: {  	_ = 	snop;
	(pc) =	sbr.ind lr, $3  }
0x3a: {  	_ = 	snop  }
0x3b: {  	_ = 	snop  }
0x3c: {  	p2 =	seq.s32 s10, $0x1;
	s10 =	sld [smem:$0x3FBA]  }
0x3d: {  	_ =	shalt  }
0x3e: {  	_ =	shalt  }
0x3f: {  	_ =	shalt  }
0x40: {  	_ =	shalt  }
0x41: {  	_ =	shalt  }
0x42: {  	_ =	shalt  }
0x43: {  	_ =	shalt  }
0x44: {  	_ =	shalt  }
0x45: {  	_ =	shalt  }
0x46: {  	_ =	shalt  }
0x47: {  	_ =	shalt  }
0x48: {  	_ =	shalt  }
0x49: {  	_ =	shalt  }
0x4a: {  	_ =	shalt  }
0x4b: {  	_ =	shalt  }
0x4c: {  	_ =	shalt  }
0x4d: {  	_ =	shalt  }
0x4e: {  	_ =	shalt  }
0x4f: {  	_ =	shalt  }
0x50: {  	_ =	shalt  }
0x51: {  	_ =	shalt  }
0x52: {  	_ =	shalt  }
0x53: {  	_ =	shalt  }
0x54: {  	_ =	shalt  }
0x55: {  	_ =	shalt  }
0x56: {  	_ =	shalt  }
0x57: {  	_ =	shalt  }
0x58: {  	_ =	shalt  }
0x59: {  	_ =	shalt  }
0x5a: {  	_ =	shalt  }
0x5b: {  	_ =	shalt  }
0x5c: {  	_ =	shalt  }
0x5d: {  	_ =	shalt  }
0x5e: {  	_ =	shalt  }
0x5f: {  	_ =	shalt  }
0x60: {  	_ =	shalt  }
0x61: {  	_ =	shalt  }
0x62: {  	_ =	shalt  }
0x63: {  	_ =	shalt  }
0x64: {  	_ =	shalt  }
0x65: {  	_ =	shalt  }
0x66: {  	_ =	shalt  }
0x67: {  	_ =	shalt  }
0x68: {  	_ =	shalt  }
0x69: {  	_ =	shalt  }
0x6a: {  	_ =	shalt  }
0x6b: {  	_ =	shalt  }
0x6c: {  	_ =	shalt  }
0x6d: {  	_ =	shalt  }
0x6e: {  	_ =	shalt  }
0x6f: {  	_ =	shalt  }
0x70: {  	_ =	shalt  }
0x71: {  	_ =	shalt  }
0x72: {  	_ =	shalt  }
0x73: {  	_ =	shalt  }
0x74: {  	_ =	shalt  }
0x75: {  	_ =	shalt  }
0x76: {  	_ =	shalt  }
0x77: {  	_ =	shalt  }
0x78: {  	_ =	shalt  }
0x79: {  	_ =	shalt  }
0x7a: {  	_ =	shalt  }
0x7b: {  	_ =	shalt  }
0x7c: {  	_ =	shalt  }
0x7d: {  	_ =	shalt  }
0x7e: {  	_ =	shalt  }
0x7f: {  	_ =	shalt  }
0x80: {  	_ =	shalt  }
0x81: {  	_ =	shalt  }
0x82: {  	_ =	shalt  }
0x83: {  	_ =	shalt  }
0x84: {  	_ =	shalt  }
0x85: {  	_ =	shalt  }
0x86: {  	_ =	shalt  }
0x87: {  	_ =	shalt  }
.Lfunc_end0:
.L_simem_size_0:
called_computation.1_lowered:
.L_overlay_start_0:
0x88: {  	s2 =	sld [smem:$0x3FD9]  }
0x89: {  	s3 =	sld [smem:$0x3FFE];
	_ =	sdelay $0x1  }
0x8a: {  	s1 =	srdreg.scid  }
0x8b: {  	s0 =	sand.u32 $0x1, s1  }
0x8c: {  	s17 =	sshll.u32 s0, $0xA;
	s2 =	sadd.s32 s3, s2  }
0x8d: {  	s2 =	sadd.s32 s2, s17  }
0x8e: {  	[smem:$0x3FC6] =	sst s2  }
0x8f: {  	_ = 	snop  }
0x90: {  	s2 =	sld [smem:$0x3FD0];
	(tm) =	ssettm $0x1  }
0x91: {  	s18 =	sld [smem:$0x3FFB];
	_ =	sdelay $0x3  }
0x92: {  	_ =	strace s18  }
0x93: {  	s3 =	sld [smem:$0x3FFC];
	_ =	sdelay $0x3  }
0x94: {  	_ =	strace s3  }
0x95: {  	s3 =	sld [smem:$0x3FFD];
	_ =	sdelay $0x3  }
0x96: {  	_ =	strace s3  }
0x97: {  	_ =	strace $0x8FFFFFFF  }
0x98: {  	s19 =	sld [smem:$0x3FDB];
	_ =	sdelay $0x1  }
0x99: {  	s4 =	simm.s32 $_scs_section_size  }
0x9a: {  	s5 =	simm.s32 $_size__tile_overlayer_lowered;
	s6 =	simm.s32 $_tile_overlayer_lowered  }
0x9b: {  	s22 =	simm.s32 $0x1BFF;
	s21 =	sshll.u32 s6, $0x1;
	s3 =	sadd.s32 s4, s19  }
0x9c: {  	s7 =	simm.s32 $0x0;
	s20 =	sshll.u32 s5, $0x1;
	s5 =	sadd.s32 s21, s3  }
0x9d: {  	[timem:s7], [sflag:s22] =	dma.local [hbm:s5], s20  }
0x9e: {  	_ =	swait.ge [sflag:s22], s20  }
0x9f: {  	s4 =	ssub.s32 $0x0, s20;
	[sflag:s22] =	ssyncset.done $0x0  }
0xa0: {  	[sflag:s22] =	ssyncadd.s32 s4;
	_ =	sdelay $0x1  }
0xa1: {  	s23 =	simm.s32 $0x1B8B  }
0xa2: {  	_ =	swait.ge [sflag:s23], $0x1  }
0xa3: {  	[sflag:s23] =	ssyncset.done $0x0  }
0xa4: {  	s25 =	simm.s32 $0x1B8E;
	s24 =	sld [smem:$0x3FFE];
	[sflag:s23] =	ssyncadd.s32 $0xFFFFFFFF  }
0xa5: {  	s26 =	simm.s32 $execute0_lowered;
	[smem:$0x3FD2] =	sst s25  }
0xa6: {  	s5 =	sshll.u32 s26, $0x1;
	_ =	strace $0x80000046;
	[dreg:$0x1] =	wrdreg $0xFFFFFFFF  }
0xa7: {  	s28 =	simm.s32 $_size_execute0_lowered;
	s3 =	sadd.s32 s3, s5;
	[dreg:$0x0] =	wrdreg $0x0  }
0xa8: {  	s5 =	sshll.u32 s28, $0x1;
	[dreg:$0x2] =	wrdreg s3  }
0xa9: {  	[dreg:$0x3] =	wrdreg s5  }
0xaa: {  	[dreg:$0x4] =	wrdreg $0xC0  }
0xab: {  	_ =	task [dreg:s7], $0x5FFFF  }
0xac: {  	[dreg:$0x1] =	wrdreg $0xFFFFFFFF  }
0xad: {  	[dreg:$0x0] =	wrdreg $0x60  }
0xae: {  	[dreg:$0x2] =	wrdreg s24  }
0xaf: {  	[dreg:$0x3] =	wrdreg s2  }
0xb0: {  	[dreg:$0x4] =	wrdreg $0x9  }
0xb1: {  	_ =	task.clear_ibuf [dreg:s7], $0x5FFFF;
	_ =	strace $0x90000046  }
0xb2: {  	s29 =	simm.s32 $0x9;
	_ =	strace $0x80000048  }
0xb3: {  	_ =	swait.ge [sflag:s29], $0x1  }
0xb4: {  	[sflag:s29] =	ssyncadd.s32 $0xFFFFFFFF  }
0xb5: {  	_ =	strace $0x90000048  }
0xb6: {  	_ =	sfence  }
0xb7: {  	s30 =	sld [smem:$0x0];
	_ =	sdelay $0x2  }
0xb8: {  	s31 =	sshll.u32 s1, $0xD;
	s1 =	sshrl.u32 s1, $0x2  }
0xb9: {  	s3 =	sand.u32 $0x4000, s31;
	s1 =	sadd.s32 s1, s30  }
0xba: {  	s0 =	sor.u32 s3, s0;
	s1 =	sshll.u32 s1, $0x11  }
0xbb: {  	s0 =	sor.u32 s1, s0  }
0xbc: {  	s0 =	sadd.s32 $0x8F2B, s0  }
0xbd: {  	[sflag:s0] =	ssyncadd.remote.s32 $0x1  }
0xbe: {  	_ =	sfence.sel $0xFFFF  }
0xbf: {  	[dreg:$0x0] =	wrdreg $0xFFFFFFFF;
	(pc) =	sbr.abs _section_cstart, $3  }
0xc0: {  	[dreg:$0x1] =	wrdreg $0xFFFFFFFF  }
0xc1: {  	_ =	task.clear_ibuf [dreg:s7], $0x2FFFF;
	_ =	strace $0x9FFFFFFF  }
0xc2: {  	(tm) =	ssettm $0x7FFFFFFF  }
0xc3: {  	_ =	shalt  }
tec
execute0_lowered:
.L_overlay_start_1:
0x0: {  	(tag) =	ssettag $0x1  }
0x1: {  	s1 =	srdreg.scid  }
0x2: {  	s0 =	stileid.u32;
	s3 =	rddreg [dreg:$0x0]  }
0x3: {  	s5 =	rddreg [dreg:$0x1];
	s2 =	simm.s32 $0x0;
	s7 =	smul.u32 $0xC8000, s0  }
0x4: {  	s12 =	simm.s32 $0x4C00;
	s4 =	sand.u32 $0x1, s1;
	s11 =	smul.u32 $0x19000, s0  }
0x5: {  	s13 =	sshll.u32 s0, $0x1;
	[smem:$0x7FF] =	sst s2;
	s8 =	smul.u32 $0x64000, s4  }
0x6: {  	s1 =	sor.u32 s4, s13;
	s9 =	ssub.s32 $0x2, s4;
	s4 =	smul.u32 $0xC800, s4  }
0x7: {  	s13 =	simm.s32 $0x2680;
	s6 =	smul.u32 $0x340, s1;
	s1 =	rddreg [dreg:$0x2]  }
0x8: {  	_ =	strace $0x80000047;
	s14 =	sshrl.u32 s9, $0x1;
	s16 =	sadd.s32 s11, s5  }
0x9: {  	s11 =	simm.s32 $0xD0;
	[dreg:$0xc] =	wrdreg s13;
	s13 =	simm.s32 $0x6500  }
0xa: {  	s7 =	sadd.s32 s8, s7;
	s8 =	ssub.s32 s9, s14;
	s4 =	sadd.s32 s4, s16  }
0xb: {  	s14 =	simm.s32 $0x3F80;
	s16 =	simm.s32 $0x7180;
	s6 =	sadd.s32 s6, s3  }
0xc: {  	s3 =	sadd.s32 $0x7000, s3;
	s10 =	sor.u32 $0x3E80, s7;
	s17 =	sor.u32 $0x2580, s7  }
0xd: {  	[dreg:$0x4] =	wrdreg s4;
	s20 =	sor.u32 $0xC80, s7;
	s22 =	sadd.s32 $0xBB80, s7  }
0xe: {  	s23 =	sadd.s32 $0xA280, s7;
	s28 =	sadd.s32 $0x8980, s7;
	s30 =	sadd.s32 $0x7080, s7  }
0xf: {  	s7 =	sadd.s32 $0x5780, s7;
	[dreg:$0xd] =	wrdreg s14;
	s14 =	simm.s32 $0x1  }
0x10: {  	[dreg:$0xf] =	wrdreg s16;
	s16 =	simm.s32 $0x9700;
	s15 =	sshrl.u32 s10, $0x3  }
0x11: {  	s18 =	sshrl.u32 s17, $0x3;
	s21 =	sshrl.u32 s20, $0x3;
	s17 =	simm.s32 $0x8A80  }
0x12: {  	s25 =	sshrl.u32 s23, $0x3;
	s20 =	simm.s32 $0xD580;
	[dreg:$0x10] =	wrdreg s17  }
0x13: {  	s29 =	sshrl.u32 s28, $0x3;
	s9 =	sadd.s32 s15, s5;
	[dreg:$0x13] =	wrdreg s20  }
0x14: {  	s7 =	sshrl.u32 s7, $0x3;
	s19 =	sadd.s32 s18, s5;
	[dreg:$0x3] =	wrdreg s9  }
0x15: {  	s10 =	simm.s32 $0x3300;
	s4 =	sadd.s32 s21, s5;
	[dreg:$0x5] =	wrdreg s19  }
0x16: {  	s26 =	sadd.s32 s25, s5;
	s31 =	sadd.s32 s7, s5;
	[dreg:$0x6] =	wrdreg s4  }
0x17: {  	s7 =	simm.s32 $0x64;
	s15 =	simm.s32 $0x5880;
	[dreg:$0x8] =	wrdreg s26  }
0x18: {  	s18 =	simm.s32 $0xA380;
	s17 =	simm.s32 $0xB000;
	[dreg:$0xb] =	wrdreg s31  }
0x19: {  	s20 =	simm.s32 $0x0;
	s9 =	sshrl.u32 s22, $0x3;
	[dreg:$0xe] =	wrdreg s15  }
0x1a: {  	s4 =	sadd.s32 s29, s5;
	s15 =	simm.s32 $0x7E00;
	[dreg:$0x11] =	wrdreg s18  }
0x1b: {  	s19 =	simm.s32 $0xBC80;
	s18 =	simm.s32 $0xC900;
	s24 =	sadd.s32 s9, s5  }
0x1c: {  	s9 =	sshrl.u32 s30, $0x3;
	[dreg:$0x9] =	wrdreg s4;
	s4 =	sadd.s32 $0x800, s6  }
0x1d: {  	s6 =	simm.s32 $0x3;
	[dreg:$0x12] =	wrdreg s19;
	s19 =	simm.s32 $0x2  }
0x1e: {  	[dreg:$0x7] =	wrdreg s24;
	s9 =	sadd.s32 s9, s5;
	s5 =	smax.u32 s8, $0x1  }
0x1f: {  	s8 =	simm.s32 $0x1A00;
	[dreg:$0xa] =	wrdreg s9;
	s9 =	simm.s32 $0x68  }
.LBB2_1:
0x20: {  	[tilespmem:s2], [sflag:$0x3] =	stream.linear.gather [hbm4b:s4+s2], $0x1A00, $0x38;
	[tilespmem:$0xE200] =	vst v63  }
0x21: {  	_ =	swait.ge [sflag:s6], $0x1A00  }
0x22: {  	[sflag:s6] =	ssyncset.done $0x0  }
0x23: {  	p0 =	por $0x1, $0x1;
	[sflag:s6] =	ssyncadd.s32 $0xFFFFE600  }
0x24: {  	[tilespmem:s8], [sflag:$0x1] =	stream.indirect.gather [hbm4b:s3+s7], $0x40, s2, s7, $0xb8;
	[tilespmem:$0xE200] =	vst v63  }
0x25: {  	p0 =	por p0, p0  }
0x26: {  	[tilespmem:s10], [sflag:$0x1] =	stream.indirect.gather [hbm4b:s3+s7], $0x40, s9, s7, $0xb8;
	[tilespmem:$0xE200] =	vst v63  }
0x27: {  	s21 =	simm.s32 @!p0 $0x2  }
0x28: {  	[tilespmem:s12], [sflag:$0x1] =	stream.indirect.gather [hbm4b:s3+s7], $0x40, s11, s7, $0xb8;
	[tilespmem:$0xE200] =	vst v63  }
0x29: {  	_ =	swait.ge @!p0 [sflag:s21], $0xC80  }
0x2a: {  	[sflag:s21] =	ssyncset.done @!p0 $0x0  }
0x2b: {  	[sflag:s21] =	ssyncadd.s32 @!p0 $0xFFFFF380  }
0x2c: {  	_ =	swait.ge @!p0 [sflag:s21], $0xC80  }
0x2d: {  	[sflag:s21] =	ssyncset.done @!p0 $0x0  }
0x2e: {  	s22 =	simm.s32 $0x138;
	[sflag:s21] =	ssyncadd.s32 @!p0 $0xFFFFF380  }
0x2f: {  	[tilespmem:s13], [sflag:$0x1] =	stream.indirect.gather [hbm4b:s3+s7], $0x40, s22, s7, $0xb8;
	[tilespmem:$0xE200] =	vst v63  }
0x30: {  	_ =	swait.ge [sflag:s14], $0x1900  }
0x31: {  	s26 =	rddreg [dreg:$0x4];
	[sflag:s14] =	ssyncset.done $0x0  }
0x32: {  	s23 =	rddreg [dreg:$0x6];
	[sflag:s14] =	ssyncadd.s32 $0xFFFFE700;
	s22 =	sadd.s32 $0x0, s26  }
0x33: {  	[hbm4b:s22+s2] =	stream.linear.scatter [tilespmem:s8], [sflag:$0x2], $0xC80, $0x38;
	[tilespmem:$0xE200] =	vst v63  }
0x34: {  	s24 =	rddreg [dreg:$0xc];
	s23 =	sadd.s32 $0x0, s23  }
0x35: {  	[hbm4b:s23+s2] =	stream.linear.scatter [tilespmem:s24], [sflag:$0x2], $0xC80, $0x38;
	[tilespmem:$0xE200] =	vst v63  }
0x36: {  	_ =	swait.ge @!p0 [sflag:s21], $0xC80  }
0x37: {  	[sflag:s21] =	ssyncset.done @!p0 $0x0  }
0x38: {  	[sflag:s21] =	ssyncadd.s32 @!p0 $0xFFFFF380  }
0x39: {  	_ =	swait.ge @!p0 [sflag:s21], $0xC80  }
0x3a: {  	[sflag:s21] =	ssyncset.done @!p0 $0x0  }
0x3b: {  	s30 =	simm.s32 $0x1A0;
	[sflag:s21] =	ssyncadd.s32 @!p0 $0xFFFFF380  }
0x3c: {  	[tilespmem:s15], [sflag:$0x1] =	stream.indirect.gather [hbm4b:s3+s7], $0x40, s30, s7, $0xb8;
	[tilespmem:$0xE200] =	vst v63  }
0x3d: {  	_ =	swait.ge [sflag:s14], $0x1900  }
0x3e: {  	[sflag:s14] =	ssyncset.done $0x0  }
0x3f: {  	s26 =	sadd.s32 $0x320, s22;
	s31 =	rddreg [dreg:$0x5];
	[sflag:s14] =	ssyncadd.s32 $0xFFFFE700  }
0x40: {  	[hbm4b:s26+s2] =	stream.linear.scatter [tilespmem:s10], [sflag:$0x2], $0xC80, $0x38;
	[tilespmem:$0xE200] =	vst v63  }
0x41: {  	s25 =	rddreg [dreg:$0xd];
	s23 =	sadd.s32 $0x0, s31  }
0x42: {  	[hbm4b:s23+s2] =	stream.linear.scatter [tilespmem:s25], [sflag:$0x2], $0xC80, $0x38;
	[tilespmem:$0xE200] =	vst v63  }
0x43: {  	_ =	swait.ge @!p0 [sflag:s21], $0xC80  }
0x44: {  	[sflag:s21] =	ssyncset.done @!p0 $0x0  }
0x45: {  	[sflag:s21] =	ssyncadd.s32 @!p0 $0xFFFFF380  }
0x46: {  	_ =	swait.ge @!p0 [sflag:s21], $0xC80  }
0x47: {  	[sflag:s21] =	ssyncset.done @!p0 $0x0  }
0x48: {  	s30 =	simm.s32 $0x208;
	[sflag:s21] =	ssyncadd.s32 @!p0 $0xFFFFF380  }
0x49: {  	[tilespmem:s16], [sflag:$0x1] =	stream.indirect.gather [hbm4b:s3+s7], $0x40, s30, s7, $0xb8;
	[tilespmem:$0xE200] =	vst v63  }
0x4a: {  	_ =	swait.ge [sflag:s14], $0x1900  }
0x4b: {  	[sflag:s14] =	ssyncset.done $0x0  }
0x4c: {  	s25 =	sadd.s32 $0x640, s22;
	s31 =	rddreg [dreg:$0x3];
	[sflag:s14] =	ssyncadd.s32 $0xFFFFE700  }
0x4d: {  	[hbm4b:s25+s2] =	stream.linear.scatter [tilespmem:s12], [sflag:$0x2], $0xC80, $0x38;
	[tilespmem:$0xE200] =	vst v63  }
0x4e: {  	s26 =	rddreg [dreg:$0xe];
	s23 =	sadd.s32 $0x0, s31  }
0x4f: {  	[hbm4b:s23+s2] =	stream.linear.scatter [tilespmem:s26], [sflag:$0x2], $0xC80, $0x38;
	[tilespmem:$0xE200] =	vst v63  }
0x50: {  	_ =	swait.ge @!p0 [sflag:s21], $0xC80  }
0x51: {  	[sflag:s21] =	ssyncset.done @!p0 $0x0  }
0x52: {  	[sflag:s21] =	ssyncadd.s32 @!p0 $0xFFFFF380  }
0x53: {  	_ =	swait.ge @!p0 [sflag:s21], $0xC80  }
0x54: {  	[sflag:s21] =	ssyncset.done @!p0 $0x0  }
0x55: {  	s30 =	simm.s32 $0x270;
	[sflag:s21] =	ssyncadd.s32 @!p0 $0xFFFFF380  }
0x56: {  	[tilespmem:s17], [sflag:$0x1] =	stream.indirect.gather [hbm4b:s3+s7], $0x40, s30, s7, $0xb8;
	[tilespmem:$0xE200] =	vst v63  }
0x57: {  	_ =	swait.ge [sflag:s14], $0x1900  }
0x58: {  	[sflag:s14] =	ssyncset.done $0x0  }
0x59: {  	s25 =	sadd.s32 $0x960, s22;
	s31 =	rddreg [dreg:$0xb];
	[sflag:s14] =	ssyncadd.s32 $0xFFFFE700  }
0x5a: {  	[hbm4b:s25+s2] =	stream.linear.scatter [tilespmem:s13], [sflag:$0x2], $0xC80, $0x38;
	[tilespmem:$0xE200] =	vst v63  }
0x5b: {  	s26 =	rddreg [dreg:$0xf];
	s23 =	sadd.s32 $0x0, s31  }
0x5c: {  	[hbm4b:s23+s2] =	stream.linear.scatter [tilespmem:s26], [sflag:$0x2], $0xC80, $0x38;
	[tilespmem:$0xE200] =	vst v63  }
0x5d: {  	_ =	swait.ge @!p0 [sflag:s21], $0xC80  }
0x5e: {  	[sflag:s21] =	ssyncset.done @!p0 $0x0  }
0x5f: {  	[sflag:s21] =	ssyncadd.s32 @!p0 $0xFFFFF380  }
0x60: {  	_ =	swait.ge @!p0 [sflag:s21], $0xC80  }
0x61: {  	[sflag:s21] =	ssyncset.done @!p0 $0x0  }
0x62: {  	s30 =	simm.s32 $0x2D8;
	[sflag:s21] =	ssyncadd.s32 @!p0 $0xFFFFF380  }
0x63: {  	[tilespmem:s18], [sflag:$0x1] =	stream.indirect.gather [hbm4b:s3+s7], $0x40, s30, s7, $0xb8;
	[tilespmem:$0xE200] =	vst v63  }
0x64: {  	_ =	swait.ge [sflag:s14], $0x1900  }
0x65: {  	[sflag:s14] =	ssyncset.done $0x0  }
0x66: {  	s24 =	sadd.s32 $0xC80, s22;
	s31 =	rddreg [dreg:$0xa];
	[sflag:s14] =	ssyncadd.s32 $0xFFFFE700  }
0x67: {  	[hbm4b:s24+s2] =	stream.linear.scatter [tilespmem:s15], [sflag:$0x2], $0xC80, $0x38;
	[tilespmem:$0xE200] =	vst v63  }
0x68: {  	s25 =	rddreg [dreg:$0x10];
	s21 =	sadd.s32 $0x0, s31  }
0x69: {  	[hbm4b:s21+s2] =	stream.linear.scatter [tilespmem:s25], [sflag:$0x2], $0xC80, $0x38;
	[tilespmem:$0xE200] =	vst v63  }
0x6a: {  	_ =	swait.ge [sflag:s19], $0xC80  }
0x6b: {  	[sflag:s19] =	ssyncset.done $0x0  }
0x6c: {  	[sflag:s19] =	ssyncadd.s32 $0xFFFFF380  }
0x6d: {  	p0 =	por $0x0, $0x0;
	_ =	swait.ge [sflag:s19], $0xC80  }
0x6e: {  	s23 =	simm.s32 @!p0 $0x64;
	[sflag:s19] =	ssyncset.done $0x0  }
0x6f: {  	s24 =	simm.s32 @!p0 $0x1A00;
	s21 =	simm.s32 @!p0 $0x340;
	[sflag:s19] =	ssyncadd.s32 $0xFFFFF380  }
0x70: {  	[tilespmem:s24], [sflag:$0x1] =	stream.indirect.gather @!p0 [hbm4b:s3+s23], $0x40, s21, s23, $0xb8;
	[tilespmem:$0xE200] =	vst v63  }
0x71: {  	_ =	swait.ge [sflag:s14], $0x1900  }
0x72: {  	[sflag:s14] =	ssyncset.done $0x0  }
0x73: {  	s30 =	sadd.s32 $0xFA0, s22;
	s26 =	rddreg [dreg:$0x9];
	[sflag:s14] =	ssyncadd.s32 $0xFFFFE700  }
0x74: {  	[hbm4b:s30+s2] =	stream.linear.scatter [tilespmem:s16], [sflag:$0x2], $0xC80, $0x38;
	[tilespmem:$0xE200] =	vst v63  }
0x75: {  	s31 =	rddreg [dreg:$0x11];
	s21 =	sadd.s32 $0x0, s26  }
0x76: {  	[hbm4b:s21+s2] =	stream.linear.scatter [tilespmem:s31], [sflag:$0x2], $0xC80, $0x38;
	[tilespmem:$0xE200] =	vst v63  }
0x77: {  	_ =	swait.ge [sflag:s19], $0xC80  }
0x78: {  	[sflag:s19] =	ssyncset.done $0x0  }
0x79: {  	[sflag:s19] =	ssyncadd.s32 $0xFFFFF380  }
0x7a: {  	_ =	swait.ge [sflag:s19], $0xC80  }
0x7b: {  	[sflag:s19] =	ssyncset.done $0x0  }
0x7c: {  	s24 =	simm.s32 @!p0 $0x3300;
	s21 =	simm.s32 @!p0 $0x3A8;
	[sflag:s19] =	ssyncadd.s32 $0xFFFFF380  }
0x7d: {  	[tilespmem:s24], [sflag:$0x1] =	stream.indirect.gather @!p0 [hbm4b:s3+s23], $0x40, s21, s23, $0xb8;
	[tilespmem:$0xE200] =	vst v63  }
0x7e: {  	_ =	swait.ge [sflag:s14], $0x1900  }
0x7f: {  	[sflag:s14] =	ssyncset.done $0x0  }
0x80: {  	s30 =	sadd.s32 $0x12C0, s22;
	s26 =	rddreg [dreg:$0x8];
	[sflag:s14] =	ssyncadd.s32 $0xFFFFE700  }
0x81: {  	[hbm4b:s30+s2] =	stream.linear.scatter [tilespmem:s17], [sflag:$0x2], $0xC80, $0x38;
	[tilespmem:$0xE200] =	vst v63  }
0x82: {  	s31 =	rddreg [dreg:$0x12];
	s21 =	sadd.s32 $0x0, s26  }
0x83: {  	[hbm4b:s21+s2] =	stream.linear.scatter [tilespmem:s31], [sflag:$0x2], $0xC80, $0x38;
	[tilespmem:$0xE200] =	vst v63  }
0x84: {  	_ =	swait.ge [sflag:s19], $0xC80  }
0x85: {  	[sflag:s19] =	ssyncset.done $0x0  }
0x86: {  	[sflag:s19] =	ssyncadd.s32 $0xFFFFF380  }
0x87: {  	_ =	swait.ge [sflag:s19], $0xC80  }
0x88: {  	[sflag:s19] =	ssyncset.done $0x0  }
0x89: {  	s24 =	simm.s32 @!p0 $0x4C00;
	s21 =	simm.s32 $0x410;
	[sflag:s19] =	ssyncadd.s32 $0xFFFFF380  }
0x8a: {  	[tilespmem:s24], [sflag:$0x1] =	stream.indirect.gather @!p0 [hbm4b:s3+s23], $0x40, s21, s23, $0xb8;
	[tilespmem:$0xE200] =	vst v63  }
0x8b: {  	p6 =	por $0x0, $0x0;
	s22 =	sadd.s32 $0x15E0, s22;
	_ =	swait.ge [sflag:s14], $0x1900  }
0x8c: {  	s21 =	simm.s32 $0x1900;
	s23 =	simm.s32 $0x3200;
	[sflag:s14] =	ssyncset.done $0x0  }
0x8d: {  	p0 =	por p6, p6;
	s29 =	rddreg [dreg:$0x7];
	[sflag:s14] =	ssyncadd.s32 $0xFFFFE700  }
0x8e: {  	[hbm4b:s22+s2] =	stream.linear.scatter [tilespmem:s18], [sflag:$0x2], $0xC80, $0x38;
	[tilespmem:$0xE200] =	vst v63  }
0x8f: {  	s24 =	simm.s32 $0x0;
	s28 =	rddreg [dreg:$0x13];
	s22 =	simm.s32 $0x750  }
.LBB2_2:
0x90: {  	s26 =	simm.s32 @!p0 $0x2;
	s25 =	sadd.s32 s24, s29  }
0x91: {  	[hbm4b:s25+s2] =	stream.linear.scatter [tilespmem:s28], [sflag:$0x2], $0xC80, $0x38;
	[tilespmem:$0xE200] =	vst v63  }
0x92: {  	_ =	swait.ge @!p0 [sflag:s26], $0xC80  }
0x93: {  	[sflag:s26] =	ssyncset.done @!p0 $0x0  }
0x94: {  	[sflag:s26] =	ssyncadd.s32 @!p0 $0xFFFFF380  }
0x95: {  	_ =	swait.ge @!p0 [sflag:s26], $0xC80  }
0x96: {  	[sflag:s26] =	ssyncset.done @!p0 $0x0  }
0x97: {  	s31 =	sadd.s32 $0xFFFFFD28, s22;
	[sflag:s26] =	ssyncadd.s32 @!p0 $0xFFFFF380  }
0x98: {  	[tilespmem:s13], [sflag:$0x1] =	stream.indirect.gather [hbm4b:s3+s7], $0x40, s31, s7, $0xb8;
	[tilespmem:$0xE200] =	vst v63  }
0x99: {  	_ =	swait.ge [sflag:s14], $0x1900  }
0x9a: {  	s24 =	smov.u32 s21;
	s30 =	rddreg [dreg:$0x4];
	[sflag:s14] =	ssyncset.done $0x0  }
0x9b: {  	s28 =	rddreg [dreg:$0x6];
	[sflag:s14] =	ssyncadd.s32 $0xFFFFE700;
	s25 =	sadd.s32 s24, s30  }
0x9c: {  	[hbm4b:s25+s2] =	stream.linear.scatter [tilespmem:s8], [sflag:$0x2], $0xC80, $0x38;
	[tilespmem:$0xE200] =	vst v63  }
0x9d: {  	s29 =	rddreg [dreg:$0xc];
	s28 =	sadd.s32 s24, s28  }
0x9e: {  	[hbm4b:s28+s2] =	stream.linear.scatter [tilespmem:s29], [sflag:$0x2], $0xC80, $0x38;
	[tilespmem:$0xE200] =	vst v63  }
0x9f: {  	_ =	swait.ge @!p0 [sflag:s26], $0xC80  }
0xa0: {  	[sflag:s26] =	ssyncset.done @!p0 $0x0  }
0xa1: {  	[sflag:s26] =	ssyncadd.s32 @!p0 $0xFFFFF380  }
0xa2: {  	_ =	swait.ge @!p0 [sflag:s26], $0xC80  }
0xa3: {  	[sflag:s26] =	ssyncset.done @!p0 $0x0  }
0xa4: {  	s28 =	sadd.s32 $0xFFFFFD90, s22;
	[sflag:s26] =	ssyncadd.s32 @!p0 $0xFFFFF380  }
0xa5: {  	[tilespmem:s15], [sflag:$0x1] =	stream.indirect.gather [hbm4b:s3+s7], $0x40, s28, s7, $0xb8;
	[tilespmem:$0xE200] =	vst v63  }
0xa6: {  	_ =	swait.ge [sflag:s14], $0x1900  }
0xa7: {  	[sflag:s14] =	ssyncset.done $0x0  }
0xa8: {  	s29 =	sadd.s32 $0x320, s25;
	s28 =	rddreg [dreg:$0x5];
	[sflag:s14] =	ssyncadd.s32 $0xFFFFE700  }
0xa9: {  	[hbm4b:s29+s2] =	stream.linear.scatter [tilespmem:s10], [sflag:$0x2], $0xC80, $0x38;
	[tilespmem:$0xE200] =	vst v63  }
0xaa: {  	s30 =	rddreg [dreg:$0xd];
	s28 =	sadd.s32 s24, s28  }
0xab: {  	[hbm4b:s28+s2] =	stream.linear.scatter [tilespmem:s30], [sflag:$0x2], $0xC80, $0x38;
	[tilespmem:$0xE200] =	vst v63  }
0xac: {  	_ =	swait.ge @!p0 [sflag:s26], $0xC80  }
0xad: {  	[sflag:s26] =	ssyncset.done @!p0 $0x0  }
0xae: {  	[sflag:s26] =	ssyncadd.s32 @!p0 $0xFFFFF380  }
0xaf: {  	_ =	swait.ge @!p0 [sflag:s26], $0xC80  }
0xb0: {  	[sflag:s26] =	ssyncset.done @!p0 $0x0  }
0xb1: {  	s28 =	sadd.s32 $0xFFFFFDF8, s22;
	[sflag:s26] =	ssyncadd.s32 @!p0 $0xFFFFF380  }
0xb2: {  	[tilespmem:s16], [sflag:$0x1] =	stream.indirect.gather [hbm4b:s3+s7], $0x40, s28, s7, $0xb8;
	[tilespmem:$0xE200] =	vst v63  }
0xb3: {  	_ =	swait.ge [sflag:s14], $0x1900  }
0xb4: {  	[sflag:s14] =	ssyncset.done $0x0  }
0xb5: {  	s29 =	sadd.s32 $0x640, s25;
	s28 =	rddreg [dreg:$0x3];
	[sflag:s14] =	ssyncadd.s32 $0xFFFFE700  }
0xb6: {  	[hbm4b:s29+s2] =	stream.linear.scatter [tilespmem:s12], [sflag:$0x2], $0xC80, $0x38;
	[tilespmem:$0xE200] =	vst v63  }
0xb7: {  	s31 =	rddreg [dreg:$0xe];
	s28 =	sadd.s32 s24, s28  }
0xb8: {  	[hbm4b:s28+s2] =	stream.linear.scatter [tilespmem:s31], [sflag:$0x2], $0xC80, $0x38;
	[tilespmem:$0xE200] =	vst v63  }
0xb9: {  	_ =	swait.ge @!p0 [sflag:s26], $0xC80  }
0xba: {  	[sflag:s26] =	ssyncset.done @!p0 $0x0  }
0xbb: {  	[sflag:s26] =	ssyncadd.s32 @!p0 $0xFFFFF380  }
0xbc: {  	_ =	swait.ge @!p0 [sflag:s26], $0xC80  }
0xbd: {  	[sflag:s26] =	ssyncset.done @!p0 $0x0  }
0xbe: {  	s28 =	sadd.s32 $0xFFFFFE60, s22;
	[sflag:s26] =	ssyncadd.s32 @!p0 $0xFFFFF380  }
0xbf: {  	[tilespmem:s17], [sflag:$0x1] =	stream.indirect.gather [hbm4b:s3+s7], $0x40, s28, s7, $0xb8;
	[tilespmem:$0xE200] =	vst v63  }
0xc0: {  	_ =	swait.ge [sflag:s14], $0x1900  }
0xc1: {  	[sflag:s14] =	ssyncset.done $0x0  }
0xc2: {  	s29 =	sadd.s32 $0x960, s25;
	s28 =	rddreg [dreg:$0xb];
	[sflag:s14] =	ssyncadd.s32 $0xFFFFE700  }
0xc3: {  	[hbm4b:s29+s2] =	stream.linear.scatter [tilespmem:s13], [sflag:$0x2], $0xC80, $0x38;
	[tilespmem:$0xE200] =	vst v63  }
0xc4: {  	s31 =	rddreg [dreg:$0xf];
	s28 =	sadd.s32 s24, s28  }
0xc5: {  	[hbm4b:s28+s2] =	stream.linear.scatter [tilespmem:s31], [sflag:$0x2], $0xC80, $0x38;
	[tilespmem:$0xE200] =	vst v63  }
0xc6: {  	_ =	swait.ge @!p0 [sflag:s26], $0xC80  }
0xc7: {  	[sflag:s26] =	ssyncset.done @!p0 $0x0  }
0xc8: {  	[sflag:s26] =	ssyncadd.s32 @!p0 $0xFFFFF380  }
0xc9: {  	_ =	swait.ge @!p0 [sflag:s26], $0xC80  }
0xca: {  	[sflag:s26] =	ssyncset.done @!p0 $0x0  }
0xcb: {  	s31 =	sadd.s32 $0xFFFFFEC8, s22;
	[sflag:s26] =	ssyncadd.s32 @!p0 $0xFFFFF380  }
0xcc: {  	[tilespmem:s18], [sflag:$0x1] =	stream.indirect.gather [hbm4b:s3+s7], $0x40, s31, s7, $0xb8;
	[tilespmem:$0xE200] =	vst v63  }
0xcd: {  	_ =	swait.ge [sflag:s14], $0x1900  }
0xce: {  	[sflag:s14] =	ssyncset.done $0x0  }
0xcf: {  	s28 =	sadd.s32 $0xC80, s25;
	s30 =	rddreg [dreg:$0xa];
	[sflag:s14] =	ssyncadd.s32 $0xFFFFE700  }
0xd0: {  	[hbm4b:s28+s2] =	stream.linear.scatter [tilespmem:s15], [sflag:$0x2], $0xC80, $0x38;
	[tilespmem:$0xE200] =	vst v63  }
0xd1: {  	s29 =	rddreg [dreg:$0x10];
	s26 =	sadd.s32 s24, s30  }
0xd2: {  	[hbm4b:s26+s2] =	stream.linear.scatter [tilespmem:s29], [sflag:$0x2], $0xC80, $0x38;
	[tilespmem:$0xE200] =	vst v63  }
0xd3: {  	_ =	swait.ge [sflag:s19], $0xC80  }
0xd4: {  	[sflag:s19] =	ssyncset.done $0x0  }
0xd5: {  	p2 =	seq.s32 s23, $0x0;
	[sflag:s19] =	ssyncadd.s32 $0xFFFFF380  }
0xd6: {  	p0 =	por p2, p2;
	p2 =	seq.s32 s24, $0xAF00;
	_ =	swait.ge [sflag:s19], $0xC80  }
0xd7: {  	s28 =	sadd.s32 @!p2 $0xFFFFFF30, s22;
	[sflag:s19] =	ssyncset.done $0x0  }
0xd8: {  	s26 =	simm.s32 @!p2 $0x64;
	s29 =	simm.s32 @!p2 $0x1A00;
	[sflag:s19] =	ssyncadd.s32 $0xFFFFF380  }
0xd9: {  	[tilespmem:s29], [sflag:$0x1] =	stream.indirect.gather @!p2 [hbm4b:s3+s26], $0x40, s28, s26, $0xb8;
	[tilespmem:$0xE200] =	vst v63  }
0xda: {  	_ =	swait.ge [sflag:s14], $0x1900  }
0xdb: {  	[sflag:s14] =	ssyncset.done $0x0  }
0xdc: {  	s28 =	sadd.s32 $0xFA0, s25;
	s29 =	rddreg [dreg:$0x9];
	[sflag:s14] =	ssyncadd.s32 $0xFFFFE700  }
0xdd: {  	[hbm4b:s28+s2] =	stream.linear.scatter [tilespmem:s16], [sflag:$0x2], $0xC80, $0x38;
	[tilespmem:$0xE200] =	vst v63  }
0xde: {  	s31 =	rddreg [dreg:$0x11];
	s28 =	sadd.s32 s24, s29  }
0xdf: {  	[hbm4b:s28+s2] =	stream.linear.scatter [tilespmem:s31], [sflag:$0x2], $0xC80, $0x38;
	[tilespmem:$0xE200] =	vst v63  }
0xe0: {  	_ =	swait.ge [sflag:s19], $0xC80  }
0xe1: {  	[sflag:s19] =	ssyncset.done $0x0  }
0xe2: {  	[sflag:s19] =	ssyncadd.s32 $0xFFFFF380  }
0xe3: {  	_ =	swait.ge [sflag:s19], $0xC80  }
0xe4: {  	[sflag:s19] =	ssyncset.done $0x0  }
0xe5: {  	s29 =	simm.s32 @!p2 $0x3300;
	s28 =	sadd.s32 @!p2 $0xFFFFFF98, s22;
	[sflag:s19] =	ssyncadd.s32 $0xFFFFF380  }
0xe6: {  	[tilespmem:s29], [sflag:$0x1] =	stream.indirect.gather @!p2 [hbm4b:s3+s26], $0x40, s28, s26, $0xb8;
	[tilespmem:$0xE200] =	vst v63  }
0xe7: {  	_ =	swait.ge [sflag:s14], $0x1900  }
0xe8: {  	[sflag:s14] =	ssyncset.done $0x0  }
0xe9: {  	s28 =	sadd.s32 $0x12C0, s25;
	s29 =	rddreg [dreg:$0x8];
	[sflag:s14] =	ssyncadd.s32 $0xFFFFE700  }
0xea: {  	[hbm4b:s28+s2] =	stream.linear.scatter [tilespmem:s17], [sflag:$0x2], $0xC80, $0x38;
	[tilespmem:$0xE200] =	vst v63  }
0xeb: {  	s31 =	rddreg [dreg:$0x12];
	s28 =	sadd.s32 s24, s29  }
0xec: {  	[hbm4b:s28+s2] =	stream.linear.scatter [tilespmem:s31], [sflag:$0x2], $0xC80, $0x38;
	[tilespmem:$0xE200] =	vst v63  }
0xed: {  	_ =	swait.ge [sflag:s19], $0xC80  }
0xee: {  	[sflag:s19] =	ssyncset.done $0x0  }
0xef: {  	[sflag:s19] =	ssyncadd.s32 $0xFFFFF380  }
0xf0: {  	_ =	swait.ge [sflag:s19], $0xC80  }
0xf1: {  	s21 =	smov.u32 s23;
	s23 =	sadd.s32 $0x1900, s23;
	[sflag:s19] =	ssyncset.done $0x0  }
0xf2: {  	p1 =	sne.s32 s23, $0xC800;
	s28 =	simm.s32 @!p2 $0x4C00;
	[sflag:s19] =	ssyncadd.s32 $0xFFFFF380  }
0xf3: {  	[tilespmem:s28], [sflag:$0x1] =	stream.indirect.gather @!p2 [hbm4b:s3+s26], $0x40, s22, s26, $0xb8;
	[tilespmem:$0xE200] =	vst v63  }
.Ltmp0:
0xf4: {  	_ = 	snop;
	(pc) =	sbr.rel @p1 .LBB2_2-.Ltmp0, $4  }
0xf5: {  	_ =	swait.ge [sflag:s14], $0x1900  }
0xf6: {  	s25 =	sadd.s32 $0x15E0, s25;
	[sflag:s14] =	ssyncset.done $0x0;
	s29 =	rddreg [dreg:$0x7]  }
0xf7: {  	s22 =	sadd.s32 $0x340, s22;
	s28 =	rddreg [dreg:$0x13];
	[sflag:s14] =	ssyncadd.s32 $0xFFFFE700  }
0xf8: {  	[hbm4b:s25+s2] =	stream.linear.scatter [tilespmem:s18], [sflag:$0x2], $0xC80, $0x38;
	[tilespmem:$0xE200] =	vst v63  }
0xf9: {  	s25 =	simm.s32 @!p0 $0x2;
	s23 =	sadd.s32 s24, s29  }
0xfa: {  	[hbm4b:s23+s2] =	stream.linear.scatter [tilespmem:s28], [sflag:$0x2], $0xC80, $0x38;
	[tilespmem:$0xE200] =	vst v63  }
0xfb: {  	_ =	swait.ge @!p0 [sflag:s25], $0xC80  }
0xfc: {  	[sflag:s25] =	ssyncset.done @!p0 $0x0  }
0xfd: {  	[sflag:s25] =	ssyncadd.s32 @!p0 $0xFFFFF380  }
0xfe: {  	_ =	swait.ge @!p0 [sflag:s25], $0xC80  }
0xff: {  	[sflag:s25] =	ssyncset.done @!p0 $0x0  }
0x100: {  	s29 =	sadd.s32 $0xFFFFFD28, s22;
	[sflag:s25] =	ssyncadd.s32 @!p0 $0xFFFFF380  }
0x101: {  	[tilespmem:s13], [sflag:$0x1] =	stream.indirect.gather [hbm4b:s3+s7], $0x40, s29, s7, $0xb8;
	[tilespmem:$0xE200] =	vst v63  }
0x102: {  	_ =	swait.ge [sflag:s14], $0x1900  }
0x103: {  	s30 =	rddreg [dreg:$0x4];
	[sflag:s14] =	ssyncset.done $0x0  }
0x104: {  	s31 =	rddreg [dreg:$0x6];
	[sflag:s14] =	ssyncadd.s32 $0xFFFFE700;
	s23 =	sadd.s32 s21, s30  }
0x105: {  	[hbm4b:s23+s2] =	stream.linear.scatter [tilespmem:s8], [sflag:$0x2], $0xC80, $0x38;
	[tilespmem:$0xE200] =	vst v63  }
0x106: {  	s26 =	rddreg [dreg:$0xc];
	s24 =	sadd.s32 s21, s31  }
0x107: {  	[hbm4b:s24+s2] =	stream.linear.scatter [tilespmem:s26], [sflag:$0x2], $0xC80, $0x38;
	[tilespmem:$0xE200] =	vst v63  }
0x108: {  	_ =	swait.ge @!p0 [sflag:s25], $0xC80  }
0x109: {  	[sflag:s25] =	ssyncset.done @!p0 $0x0  }
0x10a: {  	[sflag:s25] =	ssyncadd.s32 @!p0 $0xFFFFF380  }
0x10b: {  	_ =	swait.ge @!p0 [sflag:s25], $0xC80  }
0x10c: {  	[sflag:s25] =	ssyncset.done @!p0 $0x0  }
0x10d: {  	s28 =	sadd.s32 $0xFFFFFD90, s22;
	[sflag:s25] =	ssyncadd.s32 @!p0 $0xFFFFF380  }
0x10e: {  	[tilespmem:s15], [sflag:$0x1] =	stream.indirect.gather [hbm4b:s3+s7], $0x40, s28, s7, $0xb8;
	[tilespmem:$0xE200] =	vst v63  }
0x10f: {  	_ =	swait.ge [sflag:s14], $0x1900  }
0x110: {  	[sflag:s14] =	ssyncset.done $0x0  }
0x111: {  	s30 =	sadd.s32 $0x320, s23;
	s29 =	rddreg [dreg:$0x5];
	[sflag:s14] =	ssyncadd.s32 $0xFFFFE700  }
0x112: {  	[hbm4b:s30+s2] =	stream.linear.scatter [tilespmem:s10], [sflag:$0x2], $0xC80, $0x38;
	[tilespmem:$0xE200] =	vst v63  }
0x113: {  	s31 =	rddreg [dreg:$0xd];
	s24 =	sadd.s32 s21, s29  }
0x114: {  	[hbm4b:s24+s2] =	stream.linear.scatter [tilespmem:s31], [sflag:$0x2], $0xC80, $0x38;
	[tilespmem:$0xE200] =	vst v63  }
0x115: {  	_ =	swait.ge @!p0 [sflag:s25], $0xC80  }
0x116: {  	[sflag:s25] =	ssyncset.done @!p0 $0x0  }
0x117: {  	[sflag:s25] =	ssyncadd.s32 @!p0 $0xFFFFF380  }
0x118: {  	_ =	swait.ge @!p0 [sflag:s25], $0xC80  }
0x119: {  	[sflag:s25] =	ssyncset.done @!p0 $0x0  }
0x11a: {  	s28 =	sadd.s32 $0xFFFFFDF8, s22;
	[sflag:s25] =	ssyncadd.s32 @!p0 $0xFFFFF380  }
0x11b: {  	[tilespmem:s16], [sflag:$0x1] =	stream.indirect.gather [hbm4b:s3+s7], $0x40, s28, s7, $0xb8;
	[tilespmem:$0xE200] =	vst v63  }
0x11c: {  	_ =	swait.ge [sflag:s14], $0x1900  }
0x11d: {  	[sflag:s14] =	ssyncset.done $0x0  }
0x11e: {  	s30 =	sadd.s32 $0x640, s23;
	s29 =	rddreg [dreg:$0x3];
	[sflag:s14] =	ssyncadd.s32 $0xFFFFE700  }
0x11f: {  	[hbm4b:s30+s2] =	stream.linear.scatter [tilespmem:s12], [sflag:$0x2], $0xC80, $0x38;
	[tilespmem:$0xE200] =	vst v63  }
0x120: {  	s31 =	rddreg [dreg:$0xe];
	s24 =	sadd.s32 s21, s29  }
0x121: {  	[hbm4b:s24+s2] =	stream.linear.scatter [tilespmem:s31], [sflag:$0x2], $0xC80, $0x38;
	[tilespmem:$0xE200] =	vst v63  }
0x122: {  	_ =	swait.ge @!p0 [sflag:s25], $0xC80  }
0x123: {  	[sflag:s25] =	ssyncset.done @!p0 $0x0  }
0x124: {  	[sflag:s25] =	ssyncadd.s32 @!p0 $0xFFFFF380  }
0x125: {  	_ =	swait.ge @!p0 [sflag:s25], $0xC80  }
0x126: {  	[sflag:s25] =	ssyncset.done @!p0 $0x0  }
0x127: {  	s29 =	sadd.s32 $0xFFFFFE60, s22;
	[sflag:s25] =	ssyncadd.s32 @!p0 $0xFFFFF380  }
0x128: {  	[tilespmem:s17], [sflag:$0x1] =	stream.indirect.gather [hbm4b:s3+s7], $0x40, s29, s7, $0xb8;
	[tilespmem:$0xE200] =	vst v63  }
0x129: {  	_ =	swait.ge [sflag:s14], $0x1900  }
0x12a: {  	[sflag:s14] =	ssyncset.done $0x0  }
0x12b: {  	s31 =	sadd.s32 $0x960, s23;
	s30 =	rddreg [dreg:$0xb];
	[sflag:s14] =	ssyncadd.s32 $0xFFFFE700  }
0x12c: {  	[hbm4b:s31+s2] =	stream.linear.scatter [tilespmem:s13], [sflag:$0x2], $0xC80, $0x38;
	[tilespmem:$0xE200] =	vst v63  }
0x12d: {  	s29 =	rddreg [dreg:$0xf];
	s24 =	sadd.s32 s21, s30  }
0x12e: {  	[hbm4b:s24+s2] =	stream.linear.scatter [tilespmem:s29], [sflag:$0x2], $0xC80, $0x38;
	[tilespmem:$0xE200] =	vst v63  }
0x12f: {  	_ =	swait.ge @!p0 [sflag:s25], $0xC80  }
0x130: {  	[sflag:s25] =	ssyncset.done @!p0 $0x0  }
0x131: {  	[sflag:s25] =	ssyncadd.s32 @!p0 $0xFFFFF380  }
0x132: {  	_ =	swait.ge @!p0 [sflag:s25], $0xC80  }
0x133: {  	[sflag:s25] =	ssyncset.done @!p0 $0x0  }
0x134: {  	s30 =	sadd.s32 $0xFFFFFEC8, s22;
	[sflag:s25] =	ssyncadd.s32 @!p0 $0xFFFFF380  }
0x135: {  	[tilespmem:s18], [sflag:$0x1] =	stream.indirect.gather [hbm4b:s3+s7], $0x40, s30, s7, $0xb8;
	[tilespmem:$0xE200] =	vst v63  }
0x136: {  	_ =	swait.ge [sflag:s14], $0x1900  }
0x137: {  	[sflag:s14] =	ssyncset.done $0x0  }
0x138: {  	s26 =	sadd.s32 $0xC80, s23;
	s31 =	rddreg [dreg:$0xa];
	[sflag:s14] =	ssyncadd.s32 $0xFFFFE700  }
0x139: {  	[hbm4b:s26+s2] =	stream.linear.scatter [tilespmem:s15], [sflag:$0x2], $0xC80, $0x38;
	[tilespmem:$0xE200] =	vst v63  }
0x13a: {  	s28 =	rddreg [dreg:$0x10];
	s24 =	sadd.s32 s21, s31  }
0x13b: {  	[hbm4b:s24+s2] =	stream.linear.scatter [tilespmem:s28], [sflag:$0x2], $0xC80, $0x38;
	[tilespmem:$0xE200] =	vst v63  }
0x13c: {  	_ =	swait.ge [sflag:s19], $0xC80  }
0x13d: {  	[sflag:s19] =	ssyncset.done $0x0  }
0x13e: {  	[sflag:s19] =	ssyncadd.s32 $0xFFFFF380  }
0x13f: {  	p0 =	seq.s32 s21, $0xAF00;
	_ =	swait.ge [sflag:s19], $0xC80  }
0x140: {  	s25 =	simm.s32 @!p0 $0x64;
	[sflag:s19] =	ssyncset.done $0x0  }
0x141: {  	s26 =	simm.s32 @!p0 $0x1A00;
	s24 =	sadd.s32 @!p0 $0xFFFFFF30, s22;
	[sflag:s19] =	ssyncadd.s32 $0xFFFFF380  }
0x142: {  	[tilespmem:s26], [sflag:$0x1] =	stream.indirect.gather @!p0 [hbm4b:s3+s25], $0x40, s24, s25, $0xb8;
	[tilespmem:$0xE200] =	vst v63  }
0x143: {  	_ =	swait.ge [sflag:s14], $0x1900  }
0x144: {  	[sflag:s14] =	ssyncset.done $0x0  }
0x145: {  	s30 =	sadd.s32 $0xFA0, s23;
	s29 =	rddreg [dreg:$0x9];
	[sflag:s14] =	ssyncadd.s32 $0xFFFFE700  }
0x146: {  	[hbm4b:s30+s2] =	stream.linear.scatter [tilespmem:s16], [sflag:$0x2], $0xC80, $0x38;
	[tilespmem:$0xE200] =	vst v63  }
0x147: {  	s31 =	rddreg [dreg:$0x11];
	s24 =	sadd.s32 s21, s29  }
0x148: {  	[hbm4b:s24+s2] =	stream.linear.scatter [tilespmem:s31], [sflag:$0x2], $0xC80, $0x38;
	[tilespmem:$0xE200] =	vst v63  }
0x149: {  	_ =	swait.ge [sflag:s19], $0xC80  }
0x14a: {  	[sflag:s19] =	ssyncset.done $0x0  }
0x14b: {  	[sflag:s19] =	ssyncadd.s32 $0xFFFFF380  }
0x14c: {  	_ =	swait.ge [sflag:s19], $0xC80  }
0x14d: {  	[sflag:s19] =	ssyncset.done $0x0  }
0x14e: {  	s26 =	simm.s32 @!p0 $0x3300;
	s24 =	sadd.s32 @!p0 $0xFFFFFF98, s22;
	[sflag:s19] =	ssyncadd.s32 $0xFFFFF380  }
0x14f: {  	[tilespmem:s26], [sflag:$0x1] =	stream.indirect.gather @!p0 [hbm4b:s3+s25], $0x40, s24, s25, $0xb8;
	[tilespmem:$0xE200] =	vst v63  }
0x150: {  	_ =	swait.ge [sflag:s14], $0x1900  }
0x151: {  	[sflag:s14] =	ssyncset.done $0x0  }
0x152: {  	s30 =	sadd.s32 $0x12C0, s23;
	s29 =	rddreg [dreg:$0x8];
	[sflag:s14] =	ssyncadd.s32 $0xFFFFE700  }
0x153: {  	[hbm4b:s30+s2] =	stream.linear.scatter [tilespmem:s17], [sflag:$0x2], $0xC80, $0x38;
	[tilespmem:$0xE200] =	vst v63  }
0x154: {  	s31 =	rddreg [dreg:$0x12];
	s24 =	sadd.s32 s21, s29  }
0x155: {  	[hbm4b:s24+s2] =	stream.linear.scatter [tilespmem:s31], [sflag:$0x2], $0xC80, $0x38;
	[tilespmem:$0xE200] =	vst v63  }
0x156: {  	_ =	swait.ge [sflag:s19], $0xC80  }
0x157: {  	[sflag:s19] =	ssyncset.done $0x0  }
0x158: {  	[sflag:s19] =	ssyncadd.s32 $0xFFFFF380  }
0x159: {  	_ =	swait.ge [sflag:s19], $0xC80  }
0x15a: {  	[sflag:s19] =	ssyncset.done $0x0  }
0x15b: {  	s24 =	simm.s32 @!p0 $0x4C00;
	[sflag:s19] =	ssyncadd.s32 $0xFFFFF380  }
0x15c: {  	[tilespmem:s24], [sflag:$0x1] =	stream.indirect.gather @!p0 [hbm4b:s3+s25], $0x40, s22, s25, $0xb8;
	[tilespmem:$0xE200] =	vst v63  }
0x15d: {  	_ =	swait.ge [sflag:s14], $0x1900  }
0x15e: {  	[sflag:s14] =	ssyncset.done $0x0  }
0x15f: {  	s23 =	sadd.s32 $0x15E0, s23;
	s29 =	rddreg [dreg:$0x7];
	[sflag:s14] =	ssyncadd.s32 $0xFFFFE700  }
0x160: {  	[hbm4b:s23+s2] =	stream.linear.scatter [tilespmem:s18], [sflag:$0x2], $0xC80, $0x38;
	[tilespmem:$0xE200] =	vst v63  }
0x161: {  	s30 =	rddreg [dreg:$0x13];
	s31 =	sadd.s32 s21, s29  }
0x162: {  	[hbm4b:s31+s2] =	stream.linear.scatter [tilespmem:s30], [sflag:$0x2], $0xC80, $0x38;
	[tilespmem:$0xE200] =	vst v63  }
0x163: {  	_ =	swait.ge [sflag:s19], $0xC80  }
0x164: {  	[sflag:s19] =	ssyncset.done $0x0  }
0x165: {  	[sflag:s19] =	ssyncadd.s32 $0xFFFFF380  }
0x166: {  	_ =	swait.ge [sflag:s19], $0xC80  }
0x167: {  	[sflag:s19] =	ssyncset.done $0x0  }
0x168: {  	[sflag:s19] =	ssyncadd.s32 $0xFFFFF380  }
0x169: {  	_ =	swait.ge [sflag:s19], $0xC80  }
0x16a: {  	[sflag:s19] =	ssyncset.done $0x0  }
0x16b: {  	[sflag:s19] =	ssyncadd.s32 $0xFFFFF380  }
0x16c: {  	_ =	swait.ge [sflag:s19], $0xC80  }
0x16d: {  	[sflag:s19] =	ssyncset.done $0x0  }
0x16e: {  	[sflag:s19] =	ssyncadd.s32 $0xFFFFF380  }
0x16f: {  	_ =	swait.ge [sflag:s19], $0xC80  }
0x170: {  	[sflag:s19] =	ssyncset.done $0x0  }
0x171: {  	[sflag:s19] =	ssyncadd.s32 $0xFFFFF380  }
0x172: {  	_ =	swait.ge [sflag:s19], $0xC80  }
0x173: {  	[sflag:s19] =	ssyncset.done $0x0  }
0x174: {  	[sflag:s19] =	ssyncadd.s32 $0xFFFFF380  }
0x175: {  	_ =	swait.ge [sflag:s19], $0xC80  }
0x176: {  	[sflag:s19] =	ssyncset.done $0x0  }
0x177: {  	[sflag:s19] =	ssyncadd.s32 $0xFFFFF380  }
0x178: {  	_ =	swait.ge [sflag:s19], $0xC80  }
0x179: {  	[sflag:s19] =	ssyncset.done $0x0  }
0x17a: {  	s20 =	sadd.s32 $0x1, s20;
	[sflag:s19] =	ssyncadd.s32 $0xFFFFF380  }
0x17b: {  	p0 =	sne.s32 s20, s5;
	_ =	swait.ge [sflag:s19], $0xC80  }
.Ltmp1:
0x17c: {  	[sflag:s19] =	ssyncset.done $0x0;
	(pc) =	sbr.rel @p0 .LBB2_1-.Ltmp1, $4  }
0x17d: {  	[sflag:s19] =	ssyncadd.s32 $0xFFFFF380  }
0x17e: {  	_ =	swait.ge [sflag:s19], $0xC80  }
0x17f: {  	[sflag:s19] =	ssyncset.done $0x0  }
0x180: {  	[sflag:s19] =	ssyncadd.s32 $0xFFFFF380  }
0x181: {  	_ =	sfence.sel $0x180000  }
0x182: {  	[bflag:$0x0] =	sbarrier.arrive $0xFFFF  }
0x183: {  	p0 =	sne.s32 s0, $0x0;
	_ =	strace $0x90000047  }
0x184: {  	s0 =	sadd.s32 @!p0 $0x100000, s1;
	[bflag:$0x2] =	sbarrier.arrive $0xFFFF  }
0x185: {  	[sflag:s0] =	ssyncadd.tile.s32 @!p0 $0x1;
	_ =	shalt  }
.Lfunc_end2:
_tile_overlayer_lowered:
.L_overlay_start_2:
0x186: {  	(tag) =	ssettag $0x2  }
0x187: {  	s0 =	rddreg [dreg:$0x0];
	s2 =	stileid.u32  }
0x188: {  	s1 =	rddreg [dreg:$0x1];
	p0 =	sne.s32 s2, $0x0  }
0x189: {  	s3 =	rddreg [dreg:$0x2];
	[bflag:$0x3] =	sbarrier.arrive $0xFFFF;
	s2 =	simm.s32 @!p0 $0x1C03  }
0x18a: {  	[timem:s3], [sflag:s2] =	dma.local @!p0 [hbm:s0], s1  }
0x18b: {  	s0 =	simm.s32 @!p0 $0x3  }
0x18c: {  	_ =	swait.ge @!p0 [sflag:s0], s1  }
0x18d: {  	s1 =	ssub.s32 @!p0 $0x0, s1;
	[sflag:s0] =	ssyncset.done @!p0 $0x0  }
0x18e: {  	[sflag:s0] =	ssyncadd.s32 @!p0 s1  }
0x18f: {  	[bflag:$0x3] =	sbarrier.arrive $0xFFFF  }
0x190: {  	_ =	shalt  }

// kernel: sparse-core-data-format-call.cloned.1.call-start
scs
called_computation_lowered:
.L_overlay_start_0:
0x0: {  	s2 =	sld [smem:$0x3FD9]  }
0x1: {  	s3 =	sld [smem:$0x3FFE];
	_ =	sdelay $0x1  }
0x2: {  	s1 =	srdreg.scid  }
0x3: {  	s0 =	sand.u32 $0x1, s1  }
0x4: {  	s18 =	sshll.u32 s0, $0xA;
	s2 =	sadd.s32 s3, s2  }
0x5: {  	s2 =	sadd.s32 s2, s18  }
0x6: {  	[smem:$0x3FC6] =	sst s2  }
0x7: {  	_ = 	snop  }
0x8: {  	s2 =	sld [smem:$0x3FD0];
	(tm) =	ssettm $0x1  }
0x9: {  	s19 =	sld [smem:$0x3FFB];
	_ =	sdelay $0x3  }
0xa: {  	_ =	strace s19  }
0xb: {  	s3 =	sld [smem:$0x3FFC];
	_ =	sdelay $0x3  }
0xc: {  	_ =	strace s3  }
0xd: {  	s3 =	sld [smem:$0x3FFD];
	_ =	sdelay $0x3  }
0xe: {  	_ =	strace s3  }
0xf: {  	_ =	strace $0x8FFFFFFF  }
0x10: {  	s20 =	sld [smem:$0x3FDB];
	_ =	sdelay $0x1  }
0x11: {  	s4 =	simm.s32 $_scs_section_size  }
0x12: {  	s5 =	simm.s32 $_size__tile_overlayer_lowered;
	s6 =	simm.s32 $_tile_overlayer_lowered  }
0x13: {  	s23 =	simm.s32 $0x1BFF;
	s22 =	sshll.u32 s6, $0x1;
	s3 =	sadd.s32 s4, s20  }
0x14: {  	s7 =	simm.s32 $0x0;
	s21 =	sshll.u32 s5, $0x1;
	s5 =	sadd.s32 s22, s3  }
0x15: {  	[timem:s7], [sflag:s23] =	dma.local [hbm:s5], s21  }
0x16: {  	_ =	swait.ge [sflag:s23], s21  }
0x17: {  	s4 =	ssub.s32 $0x0, s21;
	[sflag:s23] =	ssyncset.done $0x0  }
0x18: {  	[sflag:s23] =	ssyncadd.s32 s4;
	_ =	sdelay $0x1  }
0x19: {  	s24 =	simm.s32 $0x1B8B  }
0x1a: {  	_ =	swait.ge [sflag:s24], $0x1  }
0x1b: {  	[sflag:s24] =	ssyncset.done $0x0  }
0x1c: {  	s26 =	simm.s32 $0x1B8E;
	s25 =	sld [smem:$0x3FFE];
	[sflag:s24] =	ssyncadd.s32 $0xFFFFFFFF  }
0x1d: {  	s27 =	simm.s32 $execute0_lowered;
	[smem:$0x3FD2] =	sst s26  }
0x1e: {  	s5 =	sshll.u32 s27, $0x1;
	_ =	strace $0x80000049;
	[dreg:$0x1] =	wrdreg $0xFFFFFFFF  }
0x1f: {  	s28 =	simm.s32 $_size_execute0_lowered;
	s3 =	sadd.s32 s3, s5;
	[dreg:$0x0] =	wrdreg $0x0  }
0x20: {  	s5 =	sshll.u32 s28, $0x1;
	[dreg:$0x2] =	wrdreg s3  }
0x21: {  	[dreg:$0x3] =	wrdreg s5  }
0x22: {  	[dreg:$0x4] =	wrdreg $0xC0  }
0x23: {  	_ =	task [dreg:s7], $0x5FFFF  }
0x24: {  	[dreg:$0x1] =	wrdreg $0xFFFFFFFF  }
0x25: {  	[dreg:$0x0] =	wrdreg $0x60  }
0x26: {  	[dreg:$0x2] =	wrdreg s25  }
0x27: {  	[dreg:$0x3] =	wrdreg s2  }
0x28: {  	[dreg:$0x4] =	wrdreg $0x9  }
0x29: {  	_ =	task.clear_ibuf [dreg:s7], $0x5FFFF;
	_ =	strace $0x90000049  }
0x2a: {  	s29 =	simm.s32 $0x9;
	_ =	strace $0x8000004B  }
0x2b: {  	_ =	swait.ge [sflag:s29], $0x1  }
0x2c: {  	[sflag:s29] =	ssyncadd.s32 $0xFFFFFFFF  }
0x2d: {  	_ =	strace $0x9000004B  }
0x2e: {  	_ =	sfence  }
0x2f: {  	s30 =	sld [smem:$0x0];
	_ =	sdelay $0x2  }
0x30: {  	s31 =	sshll.u32 s1, $0xD;
	s1 =	sshrl.u32 s1, $0x2  }
0x31: {  	s3 =	sand.u32 $0x4000, s31;
	s1 =	sadd.s32 s1, s30  }
0x32: {  	s0 =	sor.u32 s3, s0;
	s1 =	sshll.u32 s1, $0x11  }
0x33: {  	s0 =	sor.u32 s1, s0  }
0x34: {  	s0 =	sadd.s32 $0x8F2B, s0  }
0x35: {  	[sflag:s0] =	ssyncadd.remote.s32 $0x1  }
0x36: {  	_ =	sfence.sel $0xFFFF  }
0x37: {  	[dreg:$0x0] =	wrdreg $0xFFFFFFFF;
	(pc) =	sbr.abs _section_cstart, $3  }
0x38: {  	[dreg:$0x1] =	wrdreg $0xFFFFFFFF  }
0x39: {  	_ =	task.clear_ibuf [dreg:s7], $0x2FFFF;
	_ =	strace $0x9FFFFFFF  }
0x3a: {  	(tm) =	ssettm $0x7FFFFFFF  }
0x3b: {  	_ =	shalt  }
tec
execute0_lowered:
.L_overlay_start_1:
0x0: {  	(tag) =	ssettag $0x1  }
0x1: {  	s0 =	srdreg.scid  }
0x2: {  	s1 =	sshll.u32 s0, $0x4  }
0x3: {  	s0 =	stileid.u32;
	s1 =	sand.u32 $0x10, s1  }
0x4: {  	s1 =	sor.u32 s0, s1  }
0x5: {  	s6 =	rddreg [dreg:$0x0];
	s4 =	simm.s32 $0x1;
	s2 =	sshll.u32 s1, $0x7  }
0x6: {  	s7 =	simm.s32 $0x2;
	s12 =	simm.s32 $0x0;
	s1 =	ssub.s32 $0x1000, s2  }
0x7: {  	s8 =	simm.s32 $0x8000;
	s13 =	simm.s32 $0x0;
	s3 =	sand.u32 $0xF80, s1  }
0x8: {  	s9 =	simm.s32 $0x0;
	s5 =	sshrl.u32 s1, $0xC;
	p0 =	sne.s32 s3, $0x0  }
.Ltmp0:
0x9: {  	s1 =	rddreg [dreg:$0x2];
	s4 =	simm.s32 @!p0 $0x0;
	(pc) =	sbr.rel .LBB1_1-.Ltmp0, $4  }
0xa: {  	s11 =	simm.s32 $0x0;
	s3 =	rddreg [dreg:$0x1];
	s5 =	sadd.s32 s4, s5  }
0xb: {  	_ =	strace $0x8000004A;
	s4 =	simm.s32 $0x1;
	s5 =	smul.u32 $0x32, s5  }
0xc: {  	s6 =	sadd.s32 $0x800, s6;
	s10 =	smov.u32 s2;
	[sflag:s4] =	ssyncpa.u1 $0x0  }
0xd: {  	p0 =	por $0x0, $0x0;
	[sflag:s7] =	ssyncpa.u1 $0x0;
	s7 =	sor.u32 $0x1, s5  }
.LBB1_4:
0xe: {  	s16 =	sshll.u32 s13, $0x3;
	s17 =	sand.u32 $0x78, s13  }
0xf: {  	s30 =	sand.u32 $0x7E00, s13;
	s12 =	sshll.u32 s12, $0xF;
	s16 =	sand.u32 $0xC00, s16  }
0x10: {  	[tilespmem:s15+$0x810 ss:$0x81] =	vst.msk $0xffff, v2;
	s31 =	sand.u32 $0x7, s13;
	s16 =	sor.u32 s17, s16;
	s17 =	sadd.s32 s3, s30  }
0x11: {  	[tilespmem:s15+$0x1020 ss:$0x81] =	vst.msk $0xffff, v0;
	s13 =	sshll.u32 s31, $0x12;
	s12 =	sadd.s32 s12, s17;
	s16 =	sshrl.u32 s16, $0x3  }
0x12: {  	[tilespmem:s15+$0x0 ss:$0x81] =	vst.msk $0xffff, v1;
	s13 =	sor.u32 $0x400, s13;
	s12 =	sadd.s32 s16, s12  }
0x13: {  	[hbm4b:s12+s13] =	stream.strided.scatter [tilespmem:s14], [sflag:$0x2], $0x2000, s8, s13, $0x20;
	[tilespmem:$0x8080] =	vst v63  }
.LBB1_5:
0x14: {  	s14 =	sadd.s32 $0x1, s9  }
0x15: {  	s12 =	sadd.s32 $0x1000, s10;
	s16 =	smov.u32 s10;
	p2 =	sgt.s32 s14, $0x31  }
0x16: {  	s16 =	smov.u32 @p2 s12  }
0x17: {  	s14 =	simm.s32 @p2 $0x0;
	p2 =	sgt.s32 s16, $0xFFF  }
0x18: {  	s16 =	smov.u32 @p2 s2;
	p2 =	sne.s32 s11, s7  }
.Ltmp1:
0x19: {  	p1 =	slt.u32 s11, $0x2;
	(pc) =	sbr.rel @!p2 .LBB1_6-.Ltmp1, $4  }
0x1a: {  	s15 =	simm.s32 @!p1 $0x2  }
0x1b: {  	s13 =	smov.u32 s10;
	p0 =	por !p0, !p0;
	_ =	swait.ge @!p1 [sflag:s15], $0x2000  }
0x1c: {  	s12 =	smov.u32 s9;
	[sflag:s15] =	ssyncset.done @!p1 $0x0;
	s9 =	smov.u32 s14  }
0x1d: {  	s11 =	sadd.s32 $0x1, s11;
	[sflag:s15] =	ssyncadd.s32 @!p1 $0xFFFFE000;
	s10 =	smov.u32 s16  }
.LBB1_1:
0x1e: {  	p1 =	sge.u32 s11, s5  }
0x1f: {  	s14 =	sand.u32 @!p1 $0x1FFFFFF, s9  }
0x20: {  	s15 =	smulhi.u32 @!p1 $0x4924925, s14;
	_ =	sdelay $0x1  }
0x21: {  	s15 =	smul.u32 @!p1 $0x38, s15  }
0x22: {  	s16 =	sxor.u32 @!p1 $0xFFFFFFFF, s11;
	s17 =	smul.u32 @!p1 $0x380, s10  }
0x23: {  	s31 =	sadd.s32 $0xFFFFFFFF, s11;
	s16 =	sshll.u32 @!p1 s16, $0xD;
	s14 =	ssub.s32 @!p1 s14, s15  }
0x24: {  	s15 =	sand.u32 @!p1 $0x2000, s16;
	s16 =	sadd.s32 @!p1 s6, s17;
	s14 =	sshll.u32 @!p1 s14, $0x4  }
0x25: {  	s17 =	simm.s32 @!p1 $0x1C00;
	s14 =	sadd.s32 @!p1 s14, s16;
	s16 =	simm.s32 @!p1 $0x40  }
0x26: {  	[tilespmem:s15], [sflag:$0x1] =	stream.strided.gather @!p1 [hbm4b:s14+s16], $0x2000, s17, s16, $0x38;
	[tilespmem:$0x8080] =	vst v63  }
0x27: {  	p1 =	sge.u32 s31, s5  }
.Ltmp2:
0x28: {  	_ = 	snop;
	(pc) =	sbr.rel @p1 .LBB1_5-.Ltmp2, $1  }
0x29: {  	_ =	sdelay $0x3  }
0x2a: {  	s14 =	simm.s32 $0x1  }
0x2b: {  	_ =	swait.ge [sflag:s4], $0x2000;
	s14 =	simm.s32 @!p0 $0x0  }
0x2c: {  	[sflag:s4] =	ssyncset.done $0x0;
	s15 =	sshll.u32 s14, $0xD  }
0x2d: {  	[sflag:s4] =	ssyncadd.s32 $0xFFFFE000;
	s18 =	sor.u32 $0x20, s15  }
0x2e: {  	s14 =	smul.u32 $0x8100, s14;
	v3 =	vld [tilespmem:s18+$0x10]  }
0x2f: {  	s30 =	sand.u32 $0x1, s11;
	v2 =	vld [tilespmem:s18+$0xFFFFFFF0]  }
0x30: {  	s15 =	smul.u32 $0x8100, s30;
	s14 =	sshrl.u32 s14, $0x2;
	v0 =	vld [tilespmem:s18+$0x0]  }
0x31: {  	v1 =	vld [tilespmem:s18+$0xFFFFFFE0];
	s16 =	sor.u32 $0x4000, s14  }
0x32: {  	s31 =	sshrl.u32 s15, $0x2;
	s15 =	sadd.s32 $0x0, s16  }
0x33: {  	s17 =	simm.s32 $0x4;
	s18 =	sadd.s32 $0x40, s18;
	s14 =	sor.u32 $0x4000, s31;
	[tilespmem:s15+$0x1830 ss:$0x81] =	vst.msk $0xffff, v3  }
.LBB1_3:
0x34: {  	v3 =	vld [tilespmem:s18+$0x10];
	p1 =	sne.s32 s17, $0x1FC;
	[tilespmem:s15+$0x810 ss:$0x81] =	vst.msk $0xffff, v2;
	s19 =	smov.u32 s17;
	s17 =	sadd.s32 $0x4, s17  }
.Ltmp3:
0x35: {  	v2 =	vld [tilespmem:s18+$0xFFFFFFF0];
	[tilespmem:s15+$0x1020 ss:$0x81] =	vst.msk $0xffff, v0;
	(pc) =	sbr.rel @p1 .LBB1_3-.Ltmp3, $4  }
0x36: {  	v0 =	vld [tilespmem:s18+$0x0];
	[tilespmem:s15+$0x0 ss:$0x81] =	vst.msk $0xffff, v1  }
0x37: {  	s15 =	sshra.s32 s19, $0x2;
	v1 =	vld [tilespmem:s18+$0xFFFFFFE0]  }
0x38: {  	s15 =	sadd.s32 s15, s16  }
0x39: {  	s18 =	sadd.s32 $0x40, s18;
	[tilespmem:s15+$0x1830 ss:$0x81] =	vst.msk $0xffff, v3  }
.Ltmp4:
0x3a: {  	_ = 	snop;
	(pc) =	sbr.rel .LBB1_4-.Ltmp4, $1  }
0x3b: {  	_ =	sdelay $0x3  }
.LBB1_6:
0x3c: {  	_ =	sfence.sel $0x180000  }
0x3d: {  	s2 =	simm.s32 $0x1;
	[bflag:$0x0] =	sbarrier.arrive $0xFFFF  }
0x3e: {  	s31 =	simm.s32 $0x2;
	[sflag:s2] =	ssyncpa.u1 $0x1  }
0x3f: {  	[sflag:s31] =	ssyncpa.u1 $0x1  }
0x40: {  	p0 =	sne.s32 s0, $0x0;
	_ =	strace $0x9000004A  }
0x41: {  	s0 =	sadd.s32 @!p0 $0x100000, s1;
	[bflag:$0x2] =	sbarrier.arrive $0xFFFF  }
0x42: {  	[sflag:s0] =	ssyncadd.tile.s32 @!p0 $0x1;
	_ =	shalt  }
.Lfunc_end1:
_tile_overlayer_lowered:
.L_overlay_start_2:
0x43: {  	(tag) =	ssettag $0x2  }
0x44: {  	s0 =	rddreg [dreg:$0x0];
	s2 =	stileid.u32  }
0x45: {  	s1 =	rddreg [dreg:$0x1];
	p0 =	sne.s32 s2, $0x0  }
0x46: {  	s3 =	rddreg [dreg:$0x2];
	[bflag:$0x3] =	sbarrier.arrive $0xFFFF;
	s2 =	simm.s32 @!p0 $0x1C01  }
0x47: {  	[timem:s3], [sflag:s2] =	dma.local @!p0 [hbm:s0], s1  }
0x48: {  	s0 =	simm.s32 @!p0 $0x1  }
0x49: {  	_ =	swait.ge @!p0 [sflag:s0], s1  }
0x4a: {  	s1 =	ssub.s32 @!p0 $0x0, s1;
	[sflag:s0] =	ssyncset.done @!p0 $0x0  }
0x4b: {  	[sflag:s0] =	ssyncadd.s32 @!p0 s1  }
0x4c: {  	[bflag:$0x3] =	sbarrier.arrive $0xFFFF  }
0x4d: {  	_ =	shalt  }

</sc_bundles>
